<compile_context>
chip_gen: v7x
topology: tpu7x:2x2x1
jax: 0.10.2.dev20260603
libtpu: 0.0.44.dev20260713+nightly
codegen_flags: <defaults>
</compile_context>

<pallas_src>
import jax
import jax.numpy as jnp
from jax import lax
from jax.experimental import pallas as pl
from jax.experimental.pallas import tpu as pltpu
from jax.experimental.pallas import tpu_sc as plsc

NUM_CLASSES = 28
B, T, N = 16, 1024, 512
V, D = 100000, 64
MAX_STEPS = 8
_GATHER_WINDOW = 128


def _sc_gather_rows(table, idx_flat):
    M = idx_flat.shape[0]
    dim = table.shape[1]
    mesh = plsc.VectorSubcoreMesh(core_axis_name="c", subcore_axis_name="s")
    idx2 = idx_flat.reshape(1, M)

    def gather_kernel(x_hbm, i_hbm, o_hbm):
        def body(i_vmem, o_vmem):
            pltpu.sync_copy(x_hbm.at[i_vmem.at[0]], o_vmem)

        pltpu.emit_pipeline(
            body,
            grid=(M // _GATHER_WINDOW,),
            in_specs=[pl.BlockSpec((1, _GATHER_WINDOW), index_map=lambda i: (0, i))],
            out_specs=[pl.BlockSpec((_GATHER_WINDOW, dim), index_map=lambda i: (i, 0))],
            core_axis_name=("c", "s"),
            dimension_semantics=(pltpu.PARALLEL,),
        )(i_hbm, o_hbm)

    run = pl.kernel(
        gather_kernel,
        out_type=jax.ShapeDtypeStruct((M, dim), table.dtype),
        mesh=mesh,
    )
    return run(table, idx2)


def _tc_body(tok_emb_ref, s_ref, e_ref, tb_ref, fb_ref, ex_ref, lim_ref,
             Wenc_ref, benc_ref, Wz_ref, Uz_ref, bz_ref, Wr_ref, Ur_ref,
             br_ref, Wh_ref, Uh_ref, bh_ref, Wb_ref, bb_ref, Wout_ref,
             bout_ref, out_ref):
    f32 = jnp.float32
    bf16 = jnp.bfloat16
    N2 = 2 * N

    xs = []
    for b in range(2):
        emb = tok_emb_ref[b][:, :D]
        enc = jnp.tanh(jnp.dot(emb, Wenc_ref[...],
                               preferred_element_type=f32) + benc_ref[...])
        s = s_ref[b]
        e = jnp.maximum(s, e_ref[b])
        tcol = lax.broadcasted_iota(jnp.int32, (N, T), 1)
        span = ((tcol >= s) & (tcol <= e)).astype(f32)
        nsum = jnp.dot(span, enc, preferred_element_type=f32)
        xs.append(nsum / (e - s + 1).astype(f32))
    x = jnp.concatenate(xs, axis=0)

    xz = jnp.dot(x, Wz_ref[...], preferred_element_type=f32) + bz_ref[...]
    xr = jnp.dot(x, Wr_ref[...], preferred_element_type=f32) + br_ref[...]
    xh = jnp.dot(x, Wh_ref[...], preferred_element_type=f32) + bh_ref[...]
    xzr = jnp.concatenate([xz, xr], axis=1)

    lane = lax.broadcasted_iota(jnp.int32, (1, N), 1)
    rowv = lax.broadcasted_iota(jnp.int32, (N, N), 0)
    Ots, Ofs, exs, lims = [], [], [], []
    for b in range(2):
        ex = ex_ref[b, 0, 0]
        is_exit_row = lane == ex
        ti = jnp.where(is_exit_row, ex, tb_ref[b])
        fi = jnp.where(is_exit_row, ex, fb_ref[b])
        Ots.append((rowv == ti).astype(bf16))
        Ofs.append((rowv == fi).astype(bf16))
        exs.append(ex)
        lims.append(jnp.maximum(lim_ref[b, 0, 0], 1))

    wbd = Wb_ref[:, 0:1] - Wb_ref[:, 1:2]
    bbd = bb_ref[0:1, 0:1] - bb_ref[0:1, 1:2]

    row2 = lax.broadcasted_iota(jnp.int32, (N2, 1), 0)
    p0 = ((row2 == 0) | (row2 == N)).astype(f32)
    h0 = jnp.zeros((N2, D), f32)
    ones_col = jnp.ones((N2, 1), f32)
    la, lb = lims
    limit = jnp.maximum(la, lb)
    in_ai = (row2 < N).astype(jnp.int32)
    limcol = la * in_ai + lb * (1 - in_ai)
    Uzr = jnp.concatenate([Uz_ref[...], Ur_ref[...]], axis=1)
    Uh = Uh_ref[...]

    def step(t, carry):
        p, h = carry
        zr = jax.nn.sigmoid(xzr + jnp.dot(h, Uzr, preferred_element_type=f32))
        z = zr[:, :D]
        r = zr[:, D:]
        c = jnp.tanh(xh + jnp.dot(r * h, Uh, preferred_element_type=f32))
        a = (1.0 - z) * h + z * c
        d = jnp.dot(a, wbd, preferred_element_type=f32) + bbd
        pt = jax.nn.sigmoid(d)
        mt = p * pt
        mf = p - mt
        aug = jnp.concatenate([a, ones_col], axis=1)
        mtaug = (mt * aug).astype(bf16)
        mfaug = (mf * aug).astype(bf16)
        Rs = []
        for b in range(2):
            sl = slice(b * N, (b + 1) * N)
            Rs.append(jnp.dot(Ots[b], mtaug[sl], preferred_element_type=f32)
                      + jnp.dot(Ofs[b], mfaug[sl], preferred_element_type=f32))
        R = jnp.concatenate(Rs, axis=0)
        h_num = R[:, :D]
        p_new = R[:, D:D + 1]
        h_new = h_num / (p_new + 1e-7)
        gf = (t < limcol).astype(f32)
        ngf = 1.0 - gf
        p = gf * p_new + ngf * p
        h = gf * h_new + ngf * h
        return p, h

    p, h = lax.fori_loop(0, limit, step, (p0, h0))

    two = lax.broadcasted_iota(jnp.int32, (2, 1), 0)
    ex2 = jnp.where(two == 0, exs[0], exs[1] + N)
    lane2 = lax.broadcasted_iota(jnp.int32, (2, N2), 1)
    oh = (lane2 == ex2).astype(f32)
    exit_emb = jnp.dot(oh, h, preferred_element_type=f32)
    logits = (jnp.dot(exit_emb, Wout_ref[...], preferred_element_type=f32)
              + bout_ref[...])
    cls = lax.broadcasted_iota(jnp.int32, (1, NUM_CLASSES), 1)
    out_ref[:, 0, :] = jnp.where(cls == 0, -jnp.inf, logits)


def _tc_callargs():
    def batch3(bshape):
        return pl.BlockSpec(bshape, lambda b: (b, 0, 0))

    def const2(bshape):
        return pl.BlockSpec(bshape, lambda b: (0, 0))

    def smem11():
        return pl.BlockSpec((2, 1, 1), lambda b: (b, 0, 0),
                            memory_space=pltpu.SMEM)

    in_specs = [
        batch3((2, T, 2 * D)),
        batch3((2, N, 1)),
        batch3((2, N, 1)),
        batch3((2, 1, N)),
        batch3((2, 1, N)),
        smem11(),
        smem11(),
        const2((D, D)),
        const2((1, D)),
        const2((D, D)),
        const2((D, D)),
        const2((1, D)),
        const2((D, D)),
        const2((D, D)),
        const2((1, D)),
        const2((D, D)),
        const2((D, D)),
        const2((1, D)),
        const2((D, 2)),
        const2((1, 2)),
        const2((D, NUM_CLASSES)),
        const2((1, NUM_CLASSES)),
    ]
    return dict(
        grid=(B // 2,),
        in_specs=in_specs,
        out_specs=batch3((2, 1, NUM_CLASSES)),
        out_shape=jax.ShapeDtypeStruct((B, 1, NUM_CLASSES), jnp.float32),
    )


def kernel(tokens, node_token_span_starts, node_token_span_ends, edge_sources,
           edge_dests, edge_types, true_branch_nodes, false_branch_nodes,
           exit_index, step_limit, embed_table, W_enc, b_enc, Wz, Uz, bz, Wr,
           Ur, br, Wh, Uh, bh, W_branch, b_branch, W_out, b_out):
    i32 = jnp.int32
    table128 = jnp.concatenate(
        [embed_table, jnp.zeros((V, D), embed_table.dtype)], axis=1)
    tok_emb = _sc_gather_rows(table128, tokens.astype(i32).reshape(-1))
    tok_emb = tok_emb.reshape(B, T, 2 * D)

    out = pl.pallas_call(_tc_body, **_tc_callargs())(
        tok_emb,
        node_token_span_starts.astype(i32).reshape(B, N, 1),
        node_token_span_ends.astype(i32).reshape(B, N, 1),
        true_branch_nodes.astype(i32).reshape(B, 1, N),
        false_branch_nodes.astype(i32).reshape(B, 1, N),
        exit_index.astype(i32).reshape(B, 1, 1),
        step_limit.astype(i32).reshape(B, 1, 1),
        W_enc, b_enc.reshape(1, D),
        Wz, Uz, bz.reshape(1, D),
        Wr, Ur, br.reshape(1, D),
        Wh, Uh, bh.reshape(1, D),
        W_branch, b_branch.reshape(1, 2),
        W_out, b_out.reshape(1, NUM_CLASSES),
    )
    return out.reshape(B, NUM_CLASSES)

# --- scband reference (transcript-rebuilt; emitter-appended) ---
"""Pipeline reference for scband-ipagnn-67353677136336 (READ-ONLY COPY).

The authoritative reference and input builder live on the scoring server;
editing this copy changes nothing except your own understanding.
"""

import jax, jax.numpy as jnp
import numpy as np

NUM_CLASSES = 28
NO_DATA_ID = 0
B, T, N, E = 16, 1024, 512, 1024
V, D = 100000, 64
MAX_STEPS = 8


def setup_inputs(seed: int = 0):
    key = jax.random.key(seed)
    ks = jax.random.split(key, 30)
    s = 1.0 / np.sqrt(D)
    inp = {}
    inp['tokens'] = jax.random.randint(ks[0], (B, T), 0, V)
    inp['node_token_span_starts'] = jax.random.randint(ks[1], (B, N), 0, T)
    inp['node_token_span_ends'] = jax.random.randint(ks[2], (B, N), 0, T)
    inp['edge_sources'] = jax.random.randint(ks[3], (B, E), 0, N)
    inp['edge_dests'] = jax.random.randint(ks[4], (B, E), 0, N)
    inp['edge_types'] = jax.random.randint(ks[5], (B, E), 0, 6)
    inp['true_branch_nodes'] = jax.random.randint(ks[6], (B, N), 0, N)
    inp['false_branch_nodes'] = jax.random.randint(ks[7], (B, N), 0, N)
    inp['exit_index'] = jax.random.randint(ks[8], (B,), 0, N)
    inp['step_limit'] = jax.random.randint(ks[9], (B,), 1, MAX_STEPS + 1)
    inp['embed_table'] = jax.random.normal(ks[10], (V, D), dtype=jnp.float32) * 0.02
    inp['W_enc'] = jax.random.normal(ks[11], (D, D), dtype=jnp.float32) * s
    inp['b_enc'] = jnp.zeros((D,), dtype=jnp.float32)
    inp['Wz'] = jax.random.normal(ks[12], (D, D), dtype=jnp.float32) * s
    inp['Uz'] = jax.random.normal(ks[13], (D, D), dtype=jnp.float32) * s
    inp['bz'] = jnp.zeros((D,), dtype=jnp.float32)
    inp['Wr'] = jax.random.normal(ks[14], (D, D), dtype=jnp.float32) * s
    inp['Ur'] = jax.random.normal(ks[15], (D, D), dtype=jnp.float32) * s
    inp['br'] = jnp.zeros((D,), dtype=jnp.float32)
    inp['Wh'] = jax.random.normal(ks[16], (D, D), dtype=jnp.float32) * s
    inp['Uh'] = jax.random.normal(ks[17], (D, D), dtype=jnp.float32) * s
    inp['bh'] = jnp.zeros((D,), dtype=jnp.float32)
    inp['W_branch'] = jax.random.normal(ks[18], (D, 2), dtype=jnp.float32) * s
    inp['b_branch'] = jnp.zeros((2,), dtype=jnp.float32)
    inp['W_out'] = jax.random.normal(ks[19], (D, NUM_CLASSES), dtype=jnp.float32) * s
    inp['b_out'] = jnp.zeros((NUM_CLASSES,), dtype=jnp.float32)
    return inp


def reference(tokens, node_token_span_starts, node_token_span_ends, edge_sources, edge_dests, edge_types, true_branch_nodes, false_branch_nodes, exit_index, step_limit, embed_table, W_enc, b_enc, Wz, Uz, bz, Wr, Ur, br, Wh, Uh, bh, W_branch, b_branch, W_out, b_out):
    # --- NodeSpanEncoder: embed tokens, encode, pool per-node token spans ---
    tok_emb = jnp.take(embed_table, tokens, axis=0)            # [B, T, D] gather
    enc = jnp.tanh(tok_emb @ W_enc + b_enc)                    # [B, T, D]
    cs = jnp.concatenate([jnp.zeros_like(enc[:, :1]), jnp.cumsum(enc, axis=1)], axis=1)  # [B, T+1, D]
    starts = node_token_span_starts
    ends = jnp.maximum(starts, node_token_span_ends)
    sum_e = jnp.take_along_axis(cs, (ends + 1)[:, :, None], axis=1)   # [B, N, D]
    sum_s = jnp.take_along_axis(cs, starts[:, :, None], axis=1)       # [B, N, D]
    lengths = (ends - starts + 1).astype(enc.dtype)
    node_emb = (sum_e - sum_s) / lengths[:, :, None]           # [B, N, D]

    # --- IPAGNN: soft instruction-pointer message passing ---
    node_ids = jnp.arange(N)
    is_exit = node_ids[None, :] == exit_index[:, None]
    t_idx = jnp.where(is_exit, exit_index[:, None], true_branch_nodes)   # exit node absorbing
    f_idx = jnp.where(is_exit, exit_index[:, None], false_branch_nodes)
    p = jnp.zeros((B, N), dtype=jnp.float32).at[:, 0].set(1.0)
    h = jnp.zeros((B, N, D), dtype=jnp.float32)
    limits = jnp.maximum(step_limit, 1)

    def gru(hh, xx):
        z = jax.nn.sigmoid(xx @ Wz + hh @ Uz + bz)
        r = jax.nn.sigmoid(xx @ Wr + hh @ Ur + br)
        c = jnp.tanh(xx @ Wh + (r * hh) @ Uh + bh)
        return (1.0 - z) * hh + z * c

    def propagate(p_b, a_b, pt_b, pf_b, ti_b, fi_b):
        mt = p_b * pt_b
        mf = p_b * pf_b
        p_new = jnp.zeros((N,), dtype=p_b.dtype).at[ti_b].add(mt).at[fi_b].add(mf)
        h_num = jnp.zeros((N, D), dtype=a_b.dtype).at[ti_b].add(mt[:, None] * a_b).at[fi_b].add(mf[:, None] * a_b)
        return p_new, h_num

    for t in range(MAX_STEPS):
        a = gru(h, node_emb)                       # proposed per-node states
        bl = a @ W_branch + b_branch               # [B, N, 2]
        bp = jax.nn.softmax(bl, axis=-1)
        p_new, h_num = jax.vmap(propagate)(p, a, bp[..., 0], bp[..., 1], t_idx, f_idx)
        h_new = h_num / (p_new[..., None] + 1e-7)
        active = t < limits
        p = jnp.where(active[:, None], p_new, p)
        h = jnp.where(active[:, None, None], h_new, h)

    exit_emb = jnp.take_along_axis(h, exit_index[:, None, None], axis=1)[:, 0, :]  # [B, D]
    logits = exit_emb @ W_out + b_out
    logits = logits.at[:, NO_DATA_ID].set(-jnp.inf)
    return logits

if __name__ == "__main__":
    import jax
    _d = setup_inputs()
    print(jax.jit(kernel)(*tuple(_d.values())))

</pallas_src>

<mosaic_0001>
#map = affine_map<(d0, d1) -> (0, 0)>
module attributes {stable_mosaic.version = 14 : i64} {
  func.func @gather_kernel(%arg0: i32, %arg1: i32, %arg2: memref<100000x128xf32, #tpu.memory_space<hbm>>, %arg3: memref<1x16384xi32, #tpu.memory_space<hbm>>, %arg4: memref<16384x128xf32, #tpu.memory_space<hbm>>) attributes {dimension_semantics = [#tpu.dimension_semantics<core_parallel>, #tpu.dimension_semantics<subcore_parallel>], iteration_bounds = array<i64: 2, 16>, scalar_prefetch = 0 : i64, scratch_operands = 0 : i64, tpu.core_type = #tpu.core_type<sc_vector_subcore>, window_params = [{transform_indices = #map}, {transform_indices = #map}, {transform_indices = #map}]} {
    %mul3A = arith.constant 1 : i32
    %mul3A_0 = arith.muli %arg1, %mul3A : i32
    %add3A = arith.constant 0 : i32
    %add3A_1 = arith.addi %add3A, %mul3A_0 : i32
    %mul3A_2 = arith.constant 16 : i32
    %mul3A_3 = arith.muli %arg0, %mul3A_2 : i32
    %add3A_4 = arith.addi %add3A_1, %mul3A_3 : i32
    %mul3A_5 = arith.constant 4 : i32
    %mul3A_6 = arith.muli %add3A_4, %mul3A_5 : i32
    "tpu.region"() ({
      %run_scoped3A = memref.alloca() : memref<2x1x128xi32, #tpu.memory_space<vmem>>
      %run_scoped3A_7 = tpu.sem_alloc : memref<2x!tpu.dma_semaphore, #tpu.memory_space<semaphore_mem>>
      %run_scoped3A_8 = memref.alloca() : memref<2x128x128xf32, #tpu.memory_space<vmem>>
      %run_scoped3A_9 = tpu.sem_alloc : memref<2x!tpu.dma_semaphore, #tpu.memory_space<semaphore_mem>>
      %add3A_10 = arith.constant 0 : i32
      %add3A_11 = arith.addi %add3A_10, %mul3A_6 : i32
      %select_n3A = arith.constant true
      %select_n3A_12 = arith.constant 0 : i32
      %select_n3A_13 = arith.constant -1 : i32
      %select_n3A_14 = arith.select %select_n3A, %select_n3A_13, %select_n3A_12 : i32
      %eq3A = arith.constant -1 : i32
      %eq3A_15 = arith.cmpi eq, %select_n3A_14, %eq3A : i32
      %select_n3A_16 = arith.constant 3 : i32
      %select_n3A_17 = arith.select %eq3A_15, %select_n3A_16, %select_n3A_14 : i32
      %add3A_18 = arith.addi %select_n3A_17, %mul3A_6 : i32
      %select_n3A_19 = arith.constant true
      %select_n3A_20 = arith.constant 0 : i32
      %select_n3A_21 = arith.constant 1 : i32
      %select_n3A_22 = arith.select %select_n3A_19, %select_n3A_21, %select_n3A_20 : i32
      %eq3A_23 = arith.constant 4 : i32
      %eq3A_24 = arith.cmpi eq, %select_n3A_22, %eq3A_23 : i32
      %select_n3A_25 = arith.constant 0 : i32
      %select_n3A_26 = arith.select %eq3A_24, %select_n3A_25, %select_n3A_22 : i32
      %add3A_27 = arith.addi %select_n3A_26, %mul3A_6 : i32
      %add3A_28 = arith.constant 1 : i32
      %add3A_29 = arith.addi %select_n3A_26, %add3A_28 : i32
      %select_n3A_30 = arith.constant true
      %select_n3A_31 = arith.select %select_n3A_30, %add3A_29, %select_n3A_26 : i32
      %eq3A_32 = arith.constant 4 : i32
      %eq3A_33 = arith.cmpi eq, %select_n3A_31, %eq3A_32 : i32
      %select_n3A_34 = arith.constant 0 : i32
      %select_n3A_35 = arith.select %eq3A_33, %select_n3A_34, %select_n3A_31 : i32
      %add3A_36 = arith.addi %select_n3A_35, %mul3A_6 : i32
      "tpu.trace_start"() <{level = 10 : i32, message = "ep_initialize_0"}> : () -> ()
      %rem3A = arith.constant 0 : i32
      %rem3A_37 = arith.constant 2 : i32
      %rem3A_38 = arith.remui %rem3A, %rem3A_37 : i32
      %mul3A_39 = arith.constant 128 : i32
      %mul3A_40 = arith.muli %mul3A_39, %add3A_11 : i32
      %dma_start3A = arith.constant 0 : i32
      %dma_start3A_41 = arith.constant 0 : i32
      %dma_start3A_42 = tpu.memref_slice %run_scoped3A[%rem3A_38, %dma_start3A, %dma_start3A_41] : memref<2x1x128xi32, #tpu.memory_space<vmem>> -> memref<1x1x128xi32, #tpu.memory_space<vmem>>
      %dma_start3A_43 = tpu.memref_squeeze %dma_start3A_42 : memref<1x1x128xi32, #tpu.memory_space<vmem>> -> memref<1x128xi32, #tpu.memory_space<vmem>>
      %dma_start3A_44 = arith.constant 0 : i32
      %dma_start3A_45 = tpu.memref_slice %arg3[%dma_start3A_44, %mul3A_40] : memref<1x16384xi32, #tpu.memory_space<hbm>> -> memref<1x128xi32, #tpu.memory_space<hbm>>
      %dma_start3A_46 = tpu.memref_slice %run_scoped3A_7[%rem3A_38] : memref<2x!tpu.dma_semaphore, #tpu.memory_space<semaphore_mem>> -> memref<1x!tpu.dma_semaphore, #tpu.memory_space<semaphore_mem>>
      %dma_start3A_47 = tpu.memref_squeeze %dma_start3A_46 : memref<1x!tpu.dma_semaphore, #tpu.memory_space<semaphore_mem>> -> memref<!tpu.dma_semaphore, #tpu.memory_space<semaphore_mem>>
      %dma_start3A_48 = arith.constant 0 : i32
      %dma_start3A_49 = arith.constant 0 : i32
      %dma_start3A_50 = tpu.memref_slice %run_scoped3A[%rem3A_38, %dma_start3A_48, %dma_start3A_49] : memref<2x1x128xi32, #tpu.memory_space<vmem>> -> memref<1x1x128xi32, #tpu.memory_space<vmem>>
      %dma_start3A_51 = tpu.memref_squeeze %dma_start3A_50 : memref<1x1x128xi32, #tpu.memory_space<vmem>> -> memref<1x128xi32, #tpu.memory_space<vmem>>
      %dma_start3A_52 = arith.constant 0 : i32
      %dma_start3A_53 = tpu.memref_slice %arg3[%dma_start3A_52, %mul3A_40] : memref<1x16384xi32, #tpu.memory_space<hbm>> -> memref<1x128xi32, #tpu.memory_space<hbm>>
      tpu.enqueue_dma source(%dma_start3A_53 : memref<1x128xi32, #tpu.memory_space<hbm>>) target(%dma_start3A_51 : memref<1x128xi32, #tpu.memory_space<vmem>>) target_semaphore(%dma_start3A_47 : memref<!tpu.dma_semaphore, #tpu.memory_space<semaphore_mem>>)
      %add3A_54 = arith.constant 0 : i32
      %add3A_55 = arith.constant 1 : i32
      %add3A_56 = arith.addi %add3A_54, %add3A_55 : i32
      %select_n3A_57 = arith.constant true
      %select_n3A_58 = arith.constant 0 : i32
      %select_n3A_59 = arith.select %select_n3A_57, %add3A_56, %select_n3A_58 : i32
      "tpu.trace_stop"() : () -> ()
      %scan3A = arith.constant 0 : i32
      %scan3A_60 = arith.constant 0 : i32
      %scan3A_61 = arith.constant 0 : i32
      %scan3A_62 = arith.constant 0 : i32
      %scan3A_63 = arith.constant 0 : i32
      %scan3A_64 = arith.constant 4 : i32
      %scan3A_65 = arith.addi %scan3A_63, %scan3A_64 : i32
      %scan3A_66 = arith.constant 1 : i32
      %scan3A_67:5 = scf.for %scan3A_121 = %scan3A_63 to %scan3A_65 step %scan3A_66 iter_args(%scan3A_122 = %select_n3A_59, %scan3A_123 = %scan3A, %scan3A_124 = %scan3A_60, %scan3A_125 = %scan3A_61, %scan3A_126 = %scan3A_62) -> (i32, i32, i32, i32, i32)  : i32 {
        %eq3A_127 = arith.constant 0 : i32
        %eq3A_128 = arith.cmpi eq, %scan3A_121, %eq3A_127 : i32
        %eq3A_129 = arith.constant 3 : i32
        %eq3A_130 = arith.cmpi eq, %scan3A_121, %eq3A_129 : i32
        %add3A_131 = arith.addi %scan3A_126, %mul3A_6 : i32
        %sub3A_132 = arith.constant 1 : i32
        %sub3A_133 = arith.subi %scan3A_126, %sub3A_132 : i32
        %select_n3A_134 = arith.constant true
        %select_n3A_135 = arith.select %select_n3A_134, %sub3A_133, %scan3A_126 : i32
        %eq3A_136 = arith.constant -1 : i32
        %eq3A_137 = arith.cmpi eq, %select_n3A_135, %eq3A_136 : i32
        %select_n3A_138 = arith.constant 3 : i32
        %select_n3A_139 = arith.select %eq3A_137, %select_n3A_138, %select_n3A_135 : i32
        %add3A_140 = arith.addi %select_n3A_139, %mul3A_6 : i32
        %add3A_141 = arith.constant 1 : i32
        %add3A_142 = arith.addi %scan3A_126, %add3A_141 : i32
        %select_n3A_143 = arith.constant true
        %select_n3A_144 = arith.select %select_n3A_143, %add3A_142, %scan3A_126 : i32
        %eq3A_145 = arith.constant 4 : i32
        %eq3A_146 = arith.cmpi eq, %select_n3A_144, %eq3A_145 : i32
        %select_n3A_147 = arith.constant 0 : i32
        %select_n3A_148 = arith.select %eq3A_146, %select_n3A_147, %select_n3A_144 : i32
        %add3A_149 = arith.addi %select_n3A_148, %mul3A_6 : i32
        %add3A_150 = arith.constant 1 : i32
        %add3A_151 = arith.addi %select_n3A_148, %add3A_150 : i32
        %select_n3A_152 = arith.constant true
        %select_n3A_153 = arith.select %select_n3A_152, %add3A_151, %select_n3A_148 : i32
        %eq3A_154 = arith.constant 4 : i32
        %eq3A_155 = arith.cmpi eq, %select_n3A_153, %eq3A_154 : i32
        %select_n3A_156 = arith.constant 0 : i32
        %select_n3A_157 = arith.select %eq3A_155, %select_n3A_156, %select_n3A_153 : i32
        %add3A_158 = arith.addi %select_n3A_157, %mul3A_6 : i32
        %ne3A = arith.cmpi ne, %add3A_131, %add3A_149 : i32
        %or3A = arith.constant false
        %or3A_159 = arith.ori %or3A, %ne3A : i1
        %ge3A = arith.constant 3 : i32
        %ge3A_160 = arith.cmpi sge, %scan3A_121, %ge3A : i32
        %not3A = arith.constant true
        %not3A_161 = arith.xori %ge3A_160, %not3A : i1
        %and3A = arith.andi %or3A_159, %not3A_161 : i1
        %convert_element_type3A = arith.extui %and3A : i1 to i32
        %cond3A = arith.constant 0 : i32
        %cond3A_162 = arith.cmpi ne, %convert_element_type3A, %cond3A : i32
        scf.if %cond3A_162 {
          "tpu.trace_start"() <{level = 10 : i32, message = "ep_copy_in"}> : () -> ()
          %rem3A_264 = arith.constant 2 : i32
          %rem3A_265 = arith.remui %scan3A_122, %rem3A_264 : i32
          %mul3A_266 = arith.constant 128 : i32
          %mul3A_267 = arith.muli %mul3A_266, %add3A_149 : i32
          %dma_start3A_268 = arith.constant 0 : i32
          %dma_start3A_269 = arith.constant 0 : i32
          %dma_start3A_270 = tpu.memref_slice %run_scoped3A[%rem3A_265, %dma_start3A_268, %dma_start3A_269] : memref<2x1x128xi32, #tpu.memory_space<vmem>> -> memref<1x1x128xi32, #tpu.memory_space<vmem>>
          %dma_start3A_271 = tpu.memref_squeeze %dma_start3A_270 : memref<1x1x128xi32, #tpu.memory_space<vmem>> -> memref<1x128xi32, #tpu.memory_space<vmem>>
          %dma_start3A_272 = arith.constant 0 : i32
          %dma_start3A_273 = tpu.memref_slice %arg3[%dma_start3A_272, %mul3A_267] : memref<1x16384xi32, #tpu.memory_space<hbm>> -> memref<1x128xi32, #tpu.memory_space<hbm>>
          %dma_start3A_274 = tpu.memref_slice %run_scoped3A_7[%rem3A_265] : memref<2x!tpu.dma_semaphore, #tpu.memory_space<semaphore_mem>> -> memref<1x!tpu.dma_semaphore, #tpu.memory_space<semaphore_mem>>
          %dma_start3A_275 = tpu.memref_squeeze %dma_start3A_274 : memref<1x!tpu.dma_semaphore, #tpu.memory_space<semaphore_mem>> -> memref<!tpu.dma_semaphore, #tpu.memory_space<semaphore_mem>>
          %dma_start3A_276 = arith.constant 0 : i32
          %dma_start3A_277 = arith.constant 0 : i32
          %dma_start3A_278 = tpu.memref_slice %run_scoped3A[%rem3A_265, %dma_start3A_276, %dma_start3A_277] : memref<2x1x128xi32, #tpu.memory_space<vmem>> -> memref<1x1x128xi32, #tpu.memory_space<vmem>>
          %dma_start3A_279 = tpu.memref_squeeze %dma_start3A_278 : memref<1x1x128xi32, #tpu.memory_space<vmem>> -> memref<1x128xi32, #tpu.memory_space<vmem>>
          %dma_start3A_280 = arith.constant 0 : i32
          %dma_start3A_281 = tpu.memref_slice %arg3[%dma_start3A_280, %mul3A_267] : memref<1x16384xi32, #tpu.memory_space<hbm>> -> memref<1x128xi32, #tpu.memory_space<hbm>>
          tpu.enqueue_dma source(%dma_start3A_281 : memref<1x128xi32, #tpu.memory_space<hbm>>) target(%dma_start3A_279 : memref<1x128xi32, #tpu.memory_space<vmem>>) target_semaphore(%dma_start3A_275 : memref<!tpu.dma_semaphore, #tpu.memory_space<semaphore_mem>>)
          "tpu.trace_stop"() : () -> ()
        } else {
        }
        %and3A_163 = arith.constant true
        %and3A_164 = arith.andi %and3A, %and3A_163 : i1
        %add3A_165 = arith.constant 1 : i32
        %add3A_166 = arith.addi %scan3A_122, %add3A_165 : i32
        %select_n3A_167 = arith.select %and3A_164, %add3A_166, %scan3A_122 : i32
        %ne3A_168 = arith.cmpi ne, %add3A_131, %add3A_149 : i32
        %or3A_169 = arith.constant false
        %or3A_170 = arith.ori %or3A_169, %ne3A_168 : i1
        %or3A_171 = arith.constant false
        %or3A_172 = arith.ori %or3A_170, %or3A_171 : i1
        %ge3A_173 = arith.constant 3 : i32
        %ge3A_174 = arith.cmpi sge, %scan3A_121, %ge3A_173 : i32
        %not3A_175 = arith.constant true
        %not3A_176 = arith.xori %ge3A_174, %not3A_175 : i1
        %and3A_177 = arith.andi %or3A_172, %not3A_176 : i1
        %ne3A_178 = arith.cmpi ne, %add3A_131, %add3A_140 : i32
        %or3A_179 = arith.constant false
        %or3A_180 = arith.ori %or3A_179, %ne3A_178 : i1
        %or3A_181 = arith.ori %or3A_180, %eq3A_128 : i1
        %convert_element_type3A_182 = arith.extui %or3A_181 : i1 to i32
        %cond3A_183 = arith.constant 0 : i32
        %cond3A_184 = arith.cmpi ne, %convert_element_type3A_182, %cond3A_183 : i32
        scf.if %cond3A_184 {
          "tpu.trace_start"() <{level = 10 : i32, message = "ep_wait_in"}> : () -> ()
          %mul3A_264 = arith.constant 128 : i32
          %mul3A_265 = arith.muli %mul3A_264, %add3A_131 : i32
          %rem3A_266 = arith.constant 2 : i32
          %rem3A_267 = arith.remui %scan3A_123, %rem3A_266 : i32
          %dma_wait3A_268 = arith.constant 0 : i32
          %dma_wait3A_269 = arith.constant 0 : i32
          %dma_wait3A_270 = tpu.memref_slice %run_scoped3A[%rem3A_267, %dma_wait3A_268, %dma_wait3A_269] : memref<2x1x128xi32, #tpu.memory_space<vmem>> -> memref<1x1x128xi32, #tpu.memory_space<vmem>>
          %dma_wait3A_271 = tpu.memref_squeeze %dma_wait3A_270 : memref<1x1x128xi32, #tpu.memory_space<vmem>> -> memref<1x128xi32, #tpu.memory_space<vmem>>
          %dma_wait3A_272 = arith.constant 0 : i32
          %dma_wait3A_273 = tpu.memref_slice %arg3[%dma_wait3A_272, %mul3A_265] : memref<1x16384xi32, #tpu.memory_space<hbm>> -> memref<1x128xi32, #tpu.memory_space<hbm>>
          %dma_wait3A_274 = tpu.memref_slice %run_scoped3A_7[%rem3A_267] : memref<2x!tpu.dma_semaphore, #tpu.memory_space<semaphore_mem>> -> memref<1x!tpu.dma_semaphore, #tpu.memory_space<semaphore_mem>>
          %dma_wait3A_275 = tpu.memref_squeeze %dma_wait3A_274 : memref<1x!tpu.dma_semaphore, #tpu.memory_space<semaphore_mem>> -> memref<!tpu.dma_semaphore, #tpu.memory_space<semaphore_mem>>
          %dma_wait3A_276 = arith.constant 0 : i32
          %dma_wait3A_277 = arith.constant 0 : i32
          %dma_wait3A_278 = tpu.memref_slice %run_scoped3A[%rem3A_267, %dma_wait3A_276, %dma_wait3A_277] : memref<2x1x128xi32, #tpu.memory_space<vmem>> -> memref<1x1x128xi32, #tpu.memory_space<vmem>>
          %dma_wait3A_279 = tpu.memref_squeeze %dma_wait3A_278 : memref<1x1x128xi32, #tpu.memory_space<vmem>> -> memref<1x128xi32, #tpu.memory_space<vmem>>
          %dma_wait3A_280 = arith.constant 0 : i32
          %dma_wait3A_281 = tpu.memref_slice %arg3[%dma_wait3A_280, %mul3A_265] : memref<1x16384xi32, #tpu.memory_space<hbm>> -> memref<1x128xi32, #tpu.memory_space<hbm>>
          tpu.wait_dma2 semaphore(%dma_wait3A_275 : memref<!tpu.dma_semaphore, #tpu.memory_space<semaphore_mem>>) src(%dma_wait3A_281 : memref<1x128xi32, #tpu.memory_space<hbm>>) dst(%dma_wait3A_279 : memref<1x128xi32, #tpu.memory_space<vmem>>)
          "tpu.trace_stop"() : () -> ()
        } else {
        }
        %ne3A_185 = arith.cmpi ne, %add3A_131, %add3A_140 : i32
        %or3A_186 = arith.constant false
        %or3A_187 = arith.ori %or3A_186, %ne3A_185 : i1
        %or3A_188 = arith.constant false
        %or3A_189 = arith.ori %or3A_187, %or3A_188 : i1
        %or3A_190 = arith.ori %or3A_189, %eq3A_128 : i1
        %convert_element_type3A_191 = arith.extui %or3A_190 : i1 to i32
        %cond3A_192 = arith.constant 0 : i32
        %cond3A_193 = arith.cmpi ne, %convert_element_type3A_191, %cond3A_192 : i32
        scf.if %cond3A_193 {
        } else {
        }
        %rem3A_194 = arith.constant 2 : i32
        %rem3A_195 = arith.remui %scan3A_123, %rem3A_194 : i32
        %rem3A_196 = arith.constant 2 : i32
        %rem3A_197 = arith.remui %scan3A_124, %rem3A_196 : i32
        %run_scoped3A_198 = arith.constant 0 : i32
        "tpu.trace_start"() <{level = 10 : i32, message = "ep_run_kernel"}> : () -> ()
        "tpu.region"() ({
          %run_scoped3A_264 = tpu.sem_alloc : memref<!tpu.dma_semaphore, #tpu.memory_space<semaphore_mem>>
          %dma_start3A_265 = arith.constant 0 : i32
          %dma_start3A_266 = arith.constant 0 : i32
          %dma_start3A_267 = tpu.memref_slice %run_scoped3A_8[%rem3A_197, %dma_start3A_265, %dma_start3A_266] : memref<2x128x128xf32, #tpu.memory_space<vmem>> -> memref<1x128x128xf32, #tpu.memory_space<vmem>>
          %dma_start3A_268 = tpu.memref_squeeze %dma_start3A_267 : memref<1x128x128xf32, #tpu.memory_space<vmem>> -> memref<128x128xf32, #tpu.memory_space<vmem>>
          %dma_start3A_269 = arith.constant 0 : i32
          %dma_start3A_270 = arith.constant 0 : i32
          %dma_start3A_271 = tpu.memref_slice %run_scoped3A[%rem3A_195, %dma_start3A_269, %dma_start3A_270] : memref<2x1x128xi32, #tpu.memory_space<vmem>> -> memref<1x1x128xi32, #tpu.memory_space<vmem>>
          %dma_start3A_272 = tpu.memref_squeeze %dma_start3A_271 : memref<1x1x128xi32, #tpu.memory_space<vmem>> -> memref<1x128xi32, #tpu.memory_space<vmem>>
          %dma_start3A_273 = arith.constant 0 : i32
          %dma_start3A_274 = tpu.memref_slice %dma_start3A_272[%run_scoped3A_198, %dma_start3A_273] : memref<1x128xi32, #tpu.memory_space<vmem>> -> memref<1x128xi32, #tpu.memory_space<vmem>>
          %dma_start3A_275 = tpu.memref_squeeze %dma_start3A_274 : memref<1x128xi32, #tpu.memory_space<vmem>> -> memref<128xi32, #tpu.memory_space<vmem>>
          %dma_start3A_276 = arith.constant 0 : i32
          %dma_start3A_277 = arith.constant 0 : i32
          %dma_start3A_278 = tpu.memref_slice %arg2[%dma_start3A_276, %dma_start3A_277] : memref<100000x128xf32, #tpu.memory_space<hbm>> -> memref<100000x128xf32, #tpu.memory_space<hbm>>
          tpu.enqueue_indirect_dma source(%dma_start3A_278 : memref<100000x128xf32, #tpu.memory_space<hbm>>) target(%dma_start3A_268 : memref<128x128xf32, #tpu.memory_space<vmem>>) offsets(%dma_start3A_275 : memref<128xi32, #tpu.memory_space<vmem>>) semaphore(%run_scoped3A_264 : memref<!tpu.dma_semaphore, #tpu.memory_space<semaphore_mem>>)
          %dma_wait3A_279 = arith.constant 0 : i32
          %dma_wait3A_280 = arith.constant 0 : i32
          %dma_wait3A_281 = tpu.memref_slice %run_scoped3A_8[%rem3A_197, %dma_wait3A_279, %dma_wait3A_280] : memref<2x128x128xf32, #tpu.memory_space<vmem>> -> memref<1x128x128xf32, #tpu.memory_space<vmem>>
          %dma_wait3A_282 = tpu.memref_squeeze %dma_wait3A_281 : memref<1x128x128xf32, #tpu.memory_space<vmem>> -> memref<128x128xf32, #tpu.memory_space<vmem>>
          %dma_wait3A_283 = arith.constant 0 : i32
          %dma_wait3A_284 = arith.constant 0 : i32
          %dma_wait3A_285 = tpu.memref_slice %run_scoped3A[%rem3A_195, %dma_wait3A_283, %dma_wait3A_284] : memref<2x1x128xi32, #tpu.memory_space<vmem>> -> memref<1x1x128xi32, #tpu.memory_space<vmem>>
          %dma_wait3A_286 = tpu.memref_squeeze %dma_wait3A_285 : memref<1x1x128xi32, #tpu.memory_space<vmem>> -> memref<1x128xi32, #tpu.memory_space<vmem>>
          %dma_wait3A_287 = arith.constant 0 : i32
          %dma_wait3A_288 = tpu.memref_slice %dma_wait3A_286[%run_scoped3A_198, %dma_wait3A_287] : memref<1x128xi32, #tpu.memory_space<vmem>> -> memref<1x128xi32, #tpu.memory_space<vmem>>
          %dma_wait3A_289 = tpu.memref_squeeze %dma_wait3A_288 : memref<1x128xi32, #tpu.memory_space<vmem>> -> memref<128xi32, #tpu.memory_space<vmem>>
          %dma_wait3A_290 = arith.constant 0 : i32
          %dma_wait3A_291 = arith.constant 0 : i32
          %dma_wait3A_292 = tpu.memref_slice %arg2[%dma_wait3A_290, %dma_wait3A_291] : memref<100000x128xf32, #tpu.memory_space<hbm>> -> memref<100000x128xf32, #tpu.memory_space<hbm>>
          tpu.wait_indirect_dma semaphore(%run_scoped3A_264 : memref<!tpu.dma_semaphore, #tpu.memory_space<semaphore_mem>>) src(%dma_wait3A_292 : memref<100000x128xf32, #tpu.memory_space<hbm>>) dst(%dma_wait3A_282 : memref<128x128xf32, #tpu.memory_space<vmem>>)
          tpu.yield
        }) : () -> ()
        "tpu.trace_stop"() : () -> ()
        %ne3A_199 = arith.cmpi ne, %add3A_131, %add3A_149 : i32
        %or3A_200 = arith.constant false
        %or3A_201 = arith.ori %or3A_200, %ne3A_199 : i1
        %or3A_202 = arith.ori %or3A_201, %eq3A_130 : i1
        %convert_element_type3A_203 = arith.extui %or3A_202 : i1 to i32
        %cond3A_204 = arith.constant 0 : i32
        %cond3A_205 = arith.cmpi ne, %convert_element_type3A_203, %cond3A_204 : i32
        scf.if %cond3A_205 {
        } else {
        }
        %and3A_206 = arith.constant false
        %and3A_207 = arith.andi %or3A_202, %and3A_206 : i1
        %ne3A_208 = arith.cmpi ne, %add3A_131, %add3A_149 : i32
        %or3A_209 = arith.constant false
        %or3A_210 = arith.ori %or3A_209, %ne3A_208 : i1
        %or3A_211 = arith.constant false
        %or3A_212 = arith.ori %or3A_210, %or3A_211 : i1
        %or3A_213 = arith.ori %or3A_212, %eq3A_130 : i1
        %convert_element_type3A_214 = arith.extui %or3A_213 : i1 to i32
        %cond3A_215 = arith.constant 0 : i32
        %cond3A_216 = arith.cmpi ne, %convert_element_type3A_214, %cond3A_215 : i32
        scf.if %cond3A_216 {
          "tpu.trace_start"() <{level = 10 : i32, message = "ep_copy_out"}> : () -> ()
          %rem3A_264 = arith.constant 2 : i32
          %rem3A_265 = arith.remui %scan3A_124, %rem3A_264 : i32
          %mul3A_266 = arith.constant 128 : i32
          %mul3A_267 = arith.muli %mul3A_266, %add3A_131 : i32
          %dma_start3A_268 = arith.constant 0 : i32
          %dma_start3A_269 = arith.constant 0 : i32
          %dma_start3A_270 = tpu.memref_slice %run_scoped3A_8[%rem3A_265, %dma_start3A_268, %dma_start3A_269] : memref<2x128x128xf32, #tpu.memory_space<vmem>> -> memref<1x128x128xf32, #tpu.memory_space<vmem>>
          %dma_start3A_271 = tpu.memref_squeeze %dma_start3A_270 : memref<1x128x128xf32, #tpu.memory_space<vmem>> -> memref<128x128xf32, #tpu.memory_space<vmem>>
          %dma_start3A_272 = arith.constant 0 : i32
          %dma_start3A_273 = tpu.memref_slice %arg4[%mul3A_267, %dma_start3A_272] : memref<16384x128xf32, #tpu.memory_space<hbm>> -> memref<128x128xf32, #tpu.memory_space<hbm>>
          %dma_start3A_274 = tpu.memref_slice %run_scoped3A_9[%rem3A_265] : memref<2x!tpu.dma_semaphore, #tpu.memory_space<semaphore_mem>> -> memref<1x!tpu.dma_semaphore, #tpu.memory_space<semaphore_mem>>
          %dma_start3A_275 = tpu.memref_squeeze %dma_start3A_274 : memref<1x!tpu.dma_semaphore, #tpu.memory_space<semaphore_mem>> -> memref<!tpu.dma_semaphore, #tpu.memory_space<semaphore_mem>>
          %dma_start3A_276 = arith.constant 0 : i32
          %dma_start3A_277 = tpu.memref_slice %arg4[%mul3A_267, %dma_start3A_276] : memref<16384x128xf32, #tpu.memory_space<hbm>> -> memref<128x128xf32, #tpu.memory_space<hbm>>
          %dma_start3A_278 = arith.constant 0 : i32
          %dma_start3A_279 = arith.constant 0 : i32
          %dma_start3A_280 = tpu.memref_slice %run_scoped3A_8[%rem3A_265, %dma_start3A_278, %dma_start3A_279] : memref<2x128x128xf32, #tpu.memory_space<vmem>> -> memref<1x128x128xf32, #tpu.memory_space<vmem>>
          %dma_start3A_281 = tpu.memref_squeeze %dma_start3A_280 : memref<1x128x128xf32, #tpu.memory_space<vmem>> -> memref<128x128xf32, #tpu.memory_space<vmem>>
          tpu.enqueue_dma source(%dma_start3A_281 : memref<128x128xf32, #tpu.memory_space<vmem>>) target(%dma_start3A_277 : memref<128x128xf32, #tpu.memory_space<hbm>>) target_semaphore(%dma_start3A_275 : memref<!tpu.dma_semaphore, #tpu.memory_space<semaphore_mem>>)
          "tpu.trace_stop"() : () -> ()
        } else {
        }
        %and3A_217 = arith.constant true
        %and3A_218 = arith.andi %or3A_213, %and3A_217 : i1
        %add3A_219 = arith.constant 1 : i32
        %add3A_220 = arith.addi %scan3A_124, %add3A_219 : i32
        %select_n3A_221 = arith.select %and3A_218, %add3A_220, %scan3A_124 : i32
        %ne3A_222 = arith.cmpi ne, %add3A_131, %add3A_140 : i32
        %or3A_223 = arith.constant false
        %or3A_224 = arith.ori %or3A_223, %ne3A_222 : i1
        %not3A_225 = arith.constant true
        %not3A_226 = arith.xori %eq3A_128, %not3A_225 : i1
        %and3A_227 = arith.andi %or3A_224, %not3A_226 : i1
        %convert_element_type3A_228 = arith.extui %and3A_227 : i1 to i32
        %cond3A_229 = arith.constant 0 : i32
        %cond3A_230 = arith.cmpi ne, %convert_element_type3A_228, %cond3A_229 : i32
        scf.if %cond3A_230 {
        } else {
        }
        %and3A_231 = arith.constant false
        %and3A_232 = arith.andi %and3A_227, %and3A_231 : i1
        %ne3A_233 = arith.cmpi ne, %add3A_131, %add3A_140 : i32
        %or3A_234 = arith.constant false
        %or3A_235 = arith.ori %or3A_234, %ne3A_233 : i1
        %or3A_236 = arith.constant false
        %or3A_237 = arith.ori %or3A_235, %or3A_236 : i1
        %not3A_238 = arith.constant true
        %not3A_239 = arith.xori %eq3A_128, %not3A_238 : i1
        %and3A_240 = arith.andi %or3A_237, %not3A_239 : i1
        %convert_element_type3A_241 = arith.extui %and3A_240 : i1 to i32
        %cond3A_242 = arith.constant 0 : i32
        %cond3A_243 = arith.cmpi ne, %convert_element_type3A_241, %cond3A_242 : i32
        scf.if %cond3A_243 {
          "tpu.trace_start"() <{level = 10 : i32, message = "ep_wait_out"}> : () -> ()
          %rem3A_264 = arith.constant 2 : i32
          %rem3A_265 = arith.remui %scan3A_125, %rem3A_264 : i32
          %mul3A_266 = arith.constant 128 : i32
          %mul3A_267 = arith.muli %mul3A_266, %add3A_140 : i32
          %dma_wait3A_268 = arith.constant 0 : i32
          %dma_wait3A_269 = arith.constant 0 : i32
          %dma_wait3A_270 = tpu.memref_slice %run_scoped3A_8[%rem3A_265, %dma_wait3A_268, %dma_wait3A_269] : memref<2x128x128xf32, #tpu.memory_space<vmem>> -> memref<1x128x128xf32, #tpu.memory_space<vmem>>
          %dma_wait3A_271 = tpu.memref_squeeze %dma_wait3A_270 : memref<1x128x128xf32, #tpu.memory_space<vmem>> -> memref<128x128xf32, #tpu.memory_space<vmem>>
          %dma_wait3A_272 = arith.constant 0 : i32
          %dma_wait3A_273 = tpu.memref_slice %arg4[%mul3A_267, %dma_wait3A_272] : memref<16384x128xf32, #tpu.memory_space<hbm>> -> memref<128x128xf32, #tpu.memory_space<hbm>>
          %dma_wait3A_274 = tpu.memref_slice %run_scoped3A_9[%rem3A_265] : memref<2x!tpu.dma_semaphore, #tpu.memory_space<semaphore_mem>> -> memref<1x!tpu.dma_semaphore, #tpu.memory_space<semaphore_mem>>
          %dma_wait3A_275 = tpu.memref_squeeze %dma_wait3A_274 : memref<1x!tpu.dma_semaphore, #tpu.memory_space<semaphore_mem>> -> memref<!tpu.dma_semaphore, #tpu.memory_space<semaphore_mem>>
          %dma_wait3A_276 = arith.constant 0 : i32
          %dma_wait3A_277 = tpu.memref_slice %arg4[%mul3A_267, %dma_wait3A_276] : memref<16384x128xf32, #tpu.memory_space<hbm>> -> memref<128x128xf32, #tpu.memory_space<hbm>>
          %dma_wait3A_278 = arith.constant 0 : i32
          %dma_wait3A_279 = arith.constant 0 : i32
          %dma_wait3A_280 = tpu.memref_slice %run_scoped3A_8[%rem3A_265, %dma_wait3A_278, %dma_wait3A_279] : memref<2x128x128xf32, #tpu.memory_space<vmem>> -> memref<1x128x128xf32, #tpu.memory_space<vmem>>
          %dma_wait3A_281 = tpu.memref_squeeze %dma_wait3A_280 : memref<1x128x128xf32, #tpu.memory_space<vmem>> -> memref<128x128xf32, #tpu.memory_space<vmem>>
          tpu.wait_dma2 semaphore(%dma_wait3A_275 : memref<!tpu.dma_semaphore, #tpu.memory_space<semaphore_mem>>) src(%dma_wait3A_281 : memref<128x128xf32, #tpu.memory_space<vmem>>) dst(%dma_wait3A_277 : memref<128x128xf32, #tpu.memory_space<hbm>>)
          "tpu.trace_stop"() : () -> ()
        } else {
        }
        %and3A_244 = arith.constant true
        %and3A_245 = arith.andi %and3A_240, %and3A_244 : i1
        %add3A_246 = arith.constant 1 : i32
        %add3A_247 = arith.addi %scan3A_125, %add3A_246 : i32
        %select_n3A_248 = arith.select %and3A_245, %add3A_247, %scan3A_125 : i32
        %ne3A_249 = arith.cmpi ne, %add3A_131, %add3A_149 : i32
        %or3A_250 = arith.constant false
        %or3A_251 = arith.ori %or3A_250, %ne3A_249 : i1
        %or3A_252 = arith.ori %or3A_251, %eq3A_130 : i1
        %add3A_253 = arith.constant 1 : i32
        %add3A_254 = arith.addi %scan3A_123, %add3A_253 : i32
        %select_n3A_255 = arith.select %or3A_252, %add3A_254, %scan3A_123 : i32
        %add3A_256 = arith.constant 1 : i32
        %add3A_257 = arith.addi %scan3A_126, %add3A_256 : i32
        %select_n3A_258 = arith.constant true
        %select_n3A_259 = arith.select %select_n3A_258, %add3A_257, %scan3A_126 : i32
        %eq3A_260 = arith.constant 4 : i32
        %eq3A_261 = arith.cmpi eq, %select_n3A_259, %eq3A_260 : i32
        %select_n3A_262 = arith.constant 0 : i32
        %select_n3A_263 = arith.select %eq3A_261, %select_n3A_262, %select_n3A_259 : i32
        scf.yield %select_n3A_167, %select_n3A_255, %select_n3A_221, %select_n3A_248, %select_n3A_263 : i32, i32, i32, i32, i32
      }
      %scan3A_68 = arith.constant 4 : i32
      %sub3A = arith.constant 1 : i32
      %sub3A_69 = arith.subi %scan3A_67#4, %sub3A : i32
      %select_n3A_70 = arith.constant true
      %select_n3A_71 = arith.select %select_n3A_70, %sub3A_69, %scan3A_67#4 : i32
      %eq3A_72 = arith.constant -1 : i32
      %eq3A_73 = arith.cmpi eq, %select_n3A_71, %eq3A_72 : i32
      %select_n3A_74 = arith.constant 3 : i32
      %select_n3A_75 = arith.select %eq3A_73, %select_n3A_74, %select_n3A_71 : i32
      %add3A_76 = arith.addi %select_n3A_75, %mul3A_6 : i32
      %sub3A_77 = arith.constant 1 : i32
      %sub3A_78 = arith.subi %select_n3A_75, %sub3A_77 : i32
      %select_n3A_79 = arith.constant true
      %select_n3A_80 = arith.select %select_n3A_79, %sub3A_78, %select_n3A_75 : i32
      %eq3A_81 = arith.constant -1 : i32
      %eq3A_82 = arith.cmpi eq, %select_n3A_80, %eq3A_81 : i32
      %select_n3A_83 = arith.constant 3 : i32
      %select_n3A_84 = arith.select %eq3A_82, %select_n3A_83, %select_n3A_80 : i32
      %add3A_85 = arith.addi %select_n3A_84, %mul3A_6 : i32
      %add3A_86 = arith.constant 1 : i32
      %add3A_87 = arith.addi %select_n3A_75, %add3A_86 : i32
      %select_n3A_88 = arith.constant true
      %select_n3A_89 = arith.select %select_n3A_88, %add3A_87, %select_n3A_75 : i32
      %eq3A_90 = arith.constant 4 : i32
      %eq3A_91 = arith.cmpi eq, %select_n3A_89, %eq3A_90 : i32
      %select_n3A_92 = arith.constant 0 : i32
      %select_n3A_93 = arith.select %eq3A_91, %select_n3A_92, %select_n3A_89 : i32
      %add3A_94 = arith.addi %select_n3A_93, %mul3A_6 : i32
      %add3A_95 = arith.constant 1 : i32
      %add3A_96 = arith.addi %select_n3A_93, %add3A_95 : i32
      %select_n3A_97 = arith.constant true
      %select_n3A_98 = arith.select %select_n3A_97, %add3A_96, %select_n3A_93 : i32
      %eq3A_99 = arith.constant 4 : i32
      %eq3A_100 = arith.cmpi eq, %select_n3A_98, %eq3A_99 : i32
      %select_n3A_101 = arith.constant 0 : i32
      %select_n3A_102 = arith.select %eq3A_100, %select_n3A_101, %select_n3A_98 : i32
      %add3A_103 = arith.addi %select_n3A_102, %mul3A_6 : i32
      "tpu.trace_start"() <{level = 10 : i32, message = "ep_finalize"}> : () -> ()
      %rem3A_104 = arith.constant 2 : i32
      %rem3A_105 = arith.remui %scan3A_67#3, %rem3A_104 : i32
      %mul3A_106 = arith.constant 128 : i32
      %mul3A_107 = arith.muli %mul3A_106, %add3A_76 : i32
      %dma_wait3A = arith.constant 0 : i32
      %dma_wait3A_108 = arith.constant 0 : i32
      %dma_wait3A_109 = tpu.memref_slice %run_scoped3A_8[%rem3A_105, %dma_wait3A, %dma_wait3A_108] : memref<2x128x128xf32, #tpu.memory_space<vmem>> -> memref<1x128x128xf32, #tpu.memory_space<vmem>>
      %dma_wait3A_110 = tpu.memref_squeeze %dma_wait3A_109 : memref<1x128x128xf32, #tpu.memory_space<vmem>> -> memref<128x128xf32, #tpu.memory_space<vmem>>
      %dma_wait3A_111 = arith.constant 0 : i32
      %dma_wait3A_112 = tpu.memref_slice %arg4[%mul3A_107, %dma_wait3A_111] : memref<16384x128xf32, #tpu.memory_space<hbm>> -> memref<128x128xf32, #tpu.memory_space<hbm>>
      %dma_wait3A_113 = tpu.memref_slice %run_scoped3A_9[%rem3A_105] : memref<2x!tpu.dma_semaphore, #tpu.memory_space<semaphore_mem>> -> memref<1x!tpu.dma_semaphore, #tpu.memory_space<semaphore_mem>>
      %dma_wait3A_114 = tpu.memref_squeeze %dma_wait3A_113 : memref<1x!tpu.dma_semaphore, #tpu.memory_space<semaphore_mem>> -> memref<!tpu.dma_semaphore, #tpu.memory_space<semaphore_mem>>
      %dma_wait3A_115 = arith.constant 0 : i32
      %dma_wait3A_116 = tpu.memref_slice %arg4[%mul3A_107, %dma_wait3A_115] : memref<16384x128xf32, #tpu.memory_space<hbm>> -> memref<128x128xf32, #tpu.memory_space<hbm>>
      %dma_wait3A_117 = arith.constant 0 : i32
      %dma_wait3A_118 = arith.constant 0 : i32
      %dma_wait3A_119 = tpu.memref_slice %run_scoped3A_8[%rem3A_105, %dma_wait3A_117, %dma_wait3A_118] : memref<2x128x128xf32, #tpu.memory_space<vmem>> -> memref<1x128x128xf32, #tpu.memory_space<vmem>>
      %dma_wait3A_120 = tpu.memref_squeeze %dma_wait3A_119 : memref<1x128x128xf32, #tpu.memory_space<vmem>> -> memref<128x128xf32, #tpu.memory_space<vmem>>
      tpu.wait_dma2 semaphore(%dma_wait3A_114 : memref<!tpu.dma_semaphore, #tpu.memory_space<semaphore_mem>>) src(%dma_wait3A_120 : memref<128x128xf32, #tpu.memory_space<vmem>>) dst(%dma_wait3A_116 : memref<128x128xf32, #tpu.memory_space<hbm>>)
      "tpu.trace_stop"() : () -> ()
      tpu.yield
    }) : () -> ()
    return
  }
}

module attributes {stable_mosaic.version = 14 : i64} {
  func.func @_tc_body(%arg0: i32, %arg1: memref<2x1024x128xf32, #tpu.memory_space<vmem>>, %arg2: memref<2x512x1xi32, #tpu.memory_space<vmem>>, %arg3: memref<2x512x1xi32, #tpu.memory_space<vmem>>, %arg4: memref<2x1x512xi32, #tpu.memory_space<vmem>>, %arg5: memref<2x1x512xi32, #tpu.memory_space<vmem>>, %arg6: memref<2x1x1xi32, #tpu.memory_space<smem>>, %arg7: memref<2x1x1xi32, #tpu.memory_space<smem>>, %arg8: memref<64x64xf32, #tpu.memory_space<vmem>>, %arg9: memref<1x64xf32, #tpu.memory_space<vmem>>, %arg10: memref<64x64xf32, #tpu.memory_space<vmem>>, %arg11: memref<64x64xf32, #tpu.memory_space<vmem>>, %arg12: memref<1x64xf32, #tpu.memory_space<vmem>>, %arg13: memref<64x64xf32, #tpu.memory_space<vmem>>, %arg14: memref<64x64xf32, #tpu.memory_space<vmem>>, %arg15: memref<1x64xf32, #tpu.memory_space<vmem>>, %arg16: memref<64x64xf32, #tpu.memory_space<vmem>>, %arg17: memref<64x64xf32, #tpu.memory_space<vmem>>, %arg18: memref<1x64xf32, #tpu.memory_space<vmem>>, %arg19: memref<64x2xf32, #tpu.memory_space<vmem>>, %arg20: memref<1x2xf32, #tpu.memory_space<vmem>>, %arg21: memref<64x28xf32, #tpu.memory_space<vmem>>, %arg22: memref<1x28xf32, #tpu.memory_space<vmem>>, %arg23: memref<2x1x28xf32, #tpu.memory_space<vmem>>) attributes {dimension_semantics = [#tpu.dimension_semantics<arbitrary>], iteration_bounds = array<i64: 8>, scalar_prefetch = 0 : i64, scratch_operands = 0 : i64, tpu.core_type = #tpu.core_type<tc>, window_params = [{transform_indices = @transform_0, window_bounds = array<i64: 2, 1024, 128>}, {transform_indices = @transform_1, window_bounds = array<i64: 2, 512, 1>}, {transform_indices = @transform_2, window_bounds = array<i64: 2, 512, 1>}, {transform_indices = @transform_3, window_bounds = array<i64: 2, 1, 512>}, {transform_indices = @transform_4, window_bounds = array<i64: 2, 1, 512>}, {transform_indices = @transform_5, window_bounds = array<i64: 2, 1, 1>}, {transform_indices = @transform_6, window_bounds = array<i64: 2, 1, 1>}, {pipeline_mode = #tpu.pipeline_mode<synchronous>, transform_indices = @transform_7, window_bounds = array<i64: 64, 64>}, {pipeline_mode = #tpu.pipeline_mode<synchronous>, transform_indices = @transform_8, window_bounds = array<i64: 1, 64>}, {pipeline_mode = #tpu.pipeline_mode<synchronous>, transform_indices = @transform_9, window_bounds = array<i64: 64, 64>}, {pipeline_mode = #tpu.pipeline_mode<synchronous>, transform_indices = @transform_10, window_bounds = array<i64: 64, 64>}, {pipeline_mode = #tpu.pipeline_mode<synchronous>, transform_indices = @transform_11, window_bounds = array<i64: 1, 64>}, {pipeline_mode = #tpu.pipeline_mode<synchronous>, transform_indices = @transform_12, window_bounds = array<i64: 64, 64>}, {pipeline_mode = #tpu.pipeline_mode<synchronous>, transform_indices = @transform_13, window_bounds = array<i64: 64, 64>}, {pipeline_mode = #tpu.pipeline_mode<synchronous>, transform_indices = @transform_14, window_bounds = array<i64: 1, 64>}, {pipeline_mode = #tpu.pipeline_mode<synchronous>, transform_indices = @transform_15, window_bounds = array<i64: 64, 64>}, {pipeline_mode = #tpu.pipeline_mode<synchronous>, transform_indices = @transform_16, window_bounds = array<i64: 64, 64>}, {pipeline_mode = #tpu.pipeline_mode<synchronous>, transform_indices = @transform_17, window_bounds = array<i64: 1, 64>}, {pipeline_mode = #tpu.pipeline_mode<synchronous>, transform_indices = @transform_18, window_bounds = array<i64: 64, 2>}, {pipeline_mode = #tpu.pipeline_mode<synchronous>, transform_indices = @transform_19, window_bounds = array<i64: 1, 2>}, {pipeline_mode = #tpu.pipeline_mode<synchronous>, transform_indices = @transform_20, window_bounds = array<i64: 64, 28>}, {pipeline_mode = #tpu.pipeline_mode<synchronous>, transform_indices = @transform_21, window_bounds = array<i64: 1, 28>}, {transform_indices = @transform_22, window_bounds = array<i64: 2, 1, 28>}]} {
    %get3A = arith.constant 0 : index
    %get3A_0 = arith.constant 0 : index
    %get3A_1 = arith.constant 0 : index
    %get3A_2 = vector.load %arg1[%get3A, %get3A_0, %get3A_1] : memref<2x1024x128xf32, #tpu.memory_space<vmem>>, vector<1x1024x128xf32>
    %get3A_3 = vector.shape_cast %get3A_2 : vector<1x1024x128xf32> to vector<1024x128xf32>
    %slice3A = vector.extract_strided_slice %get3A_3 {offsets = [0, 0], sizes = [1024, 64], strides = [1, 1]} : vector<1024x128xf32> to vector<1024x64xf32>
    %get3A_4 = arith.constant 0 : index
    %get3A_5 = arith.constant 0 : index
    %get3A_6 = vector.load %arg8[%get3A_4, %get3A_5] : memref<64x64xf32, #tpu.memory_space<vmem>>, vector<64x64xf32>
    %dot_general3A = arith.constant dense<0.000000e+00> : vector<1024x64xf32>
    %dot_general3A_7 = tpu.matmul %slice3A, %get3A_6, %dot_general3A {dimension_numbers = #tpu.dot_dimension_numbers<[1], [0], [0], [1], [0, 0, 1, 1], [], []>, transpose_lhs_hint = false} : vector<1024x64xf32>, vector<64x64xf32>, vector<1024x64xf32> -> vector<1024x64xf32>
    %get3A_8 = arith.constant 0 : index
    %get3A_9 = arith.constant 0 : index
    %get3A_10 = vector.load %arg9[%get3A_8, %get3A_9] : memref<1x64xf32, #tpu.memory_space<vmem>>, vector<1x64xf32>
    %add3A = vector.broadcast %get3A_10 : vector<1x64xf32> to vector<1024x64xf32>
    %add3A_11 = arith.addf %dot_general3A_7, %add3A : vector<1024x64xf32>
    %tanh3A = math.tanh %add3A_11 : vector<1024x64xf32>
    %get3A_12 = arith.constant 0 : index
    %get3A_13 = arith.constant 0 : index
    %get3A_14 = arith.constant 0 : index
    %get3A_15 = vector.load %arg2[%get3A_12, %get3A_13, %get3A_14] : memref<2x512x1xi32, #tpu.memory_space<vmem>>, vector<1x512x1xi32>
    %get3A_16 = vector.shape_cast %get3A_15 : vector<1x512x1xi32> to vector<512x1xi32>
    %get3A_17 = arith.constant 0 : index
    %get3A_18 = arith.constant 0 : index
    %get3A_19 = arith.constant 0 : index
    %get3A_20 = vector.load %arg3[%get3A_17, %get3A_18, %get3A_19] : memref<2x512x1xi32, #tpu.memory_space<vmem>>, vector<1x512x1xi32>
    %get3A_21 = vector.shape_cast %get3A_20 : vector<1x512x1xi32> to vector<512x1xi32>
    %max3A = arith.maxsi %get3A_16, %get3A_21 : vector<512x1xi32>
    %iota3A = tpu.iota {dimensions = array<i32: 1>} : vector<512x1024xi32>
    %ge3A = vector.broadcast %get3A_16 : vector<512x1xi32> to vector<512x1024xi32>
    %ge3A_22 = arith.cmpi sge, %iota3A, %ge3A : vector<512x1024xi32>
    %le3A = vector.broadcast %max3A : vector<512x1xi32> to vector<512x1024xi32>
    %le3A_23 = arith.cmpi sle, %iota3A, %le3A : vector<512x1024xi32>
    %and3A = arith.andi %ge3A_22, %le3A_23 : vector<512x1024xi1>
    %convert_element_type3A = arith.extui %and3A : vector<512x1024xi1> to vector<512x1024xi32>
    %convert_element_type3A_24 = arith.sitofp %convert_element_type3A : vector<512x1024xi32> to vector<512x1024xf32>
    %dot_general3A_25 = arith.constant dense<0.000000e+00> : vector<512x64xf32>
    %dot_general3A_26 = tpu.matmul %convert_element_type3A_24, %tanh3A, %dot_general3A_25 {dimension_numbers = #tpu.dot_dimension_numbers<[1], [0], [0], [1], [0, 0, 1, 1], [], []>, transpose_lhs_hint = false} : vector<512x1024xf32>, vector<1024x64xf32>, vector<512x64xf32> -> vector<512x64xf32>
    %sub3A = arith.subi %max3A, %get3A_16 : vector<512x1xi32>
    %add3A_27 = arith.constant 1 : i32
    %add3A_28 = vector.broadcast %add3A_27 : i32 to vector<512x1xi32>
    %add3A_29 = arith.addi %sub3A, %add3A_28 : vector<512x1xi32>
    %convert_element_type3A_30 = arith.sitofp %add3A_29 : vector<512x1xi32> to vector<512x1xf32>
    %div3A = vector.broadcast %convert_element_type3A_30 : vector<512x1xf32> to vector<512x64xf32>
    %div3A_31 = arith.divf %dot_general3A_26, %div3A : vector<512x64xf32>
    %get3A_32 = arith.constant 1 : index
    %get3A_33 = arith.constant 0 : index
    %get3A_34 = arith.constant 0 : index
    %get3A_35 = vector.load %arg1[%get3A_32, %get3A_33, %get3A_34] : memref<2x1024x128xf32, #tpu.memory_space<vmem>>, vector<1x1024x128xf32>
    %get3A_36 = vector.shape_cast %get3A_35 : vector<1x1024x128xf32> to vector<1024x128xf32>
    %slice3A_37 = vector.extract_strided_slice %get3A_36 {offsets = [0, 0], sizes = [1024, 64], strides = [1, 1]} : vector<1024x128xf32> to vector<1024x64xf32>
    %get3A_38 = arith.constant 0 : index
    %get3A_39 = arith.constant 0 : index
    %get3A_40 = vector.load %arg8[%get3A_38, %get3A_39] : memref<64x64xf32, #tpu.memory_space<vmem>>, vector<64x64xf32>
    %dot_general3A_41 = arith.constant dense<0.000000e+00> : vector<1024x64xf32>
    %dot_general3A_42 = tpu.matmul %slice3A_37, %get3A_40, %dot_general3A_41 {dimension_numbers = #tpu.dot_dimension_numbers<[1], [0], [0], [1], [0, 0, 1, 1], [], []>, transpose_lhs_hint = false} : vector<1024x64xf32>, vector<64x64xf32>, vector<1024x64xf32> -> vector<1024x64xf32>
    %get3A_43 = arith.constant 0 : index
    %get3A_44 = arith.constant 0 : index
    %get3A_45 = vector.load %arg9[%get3A_43, %get3A_44] : memref<1x64xf32, #tpu.memory_space<vmem>>, vector<1x64xf32>
    %add3A_46 = vector.broadcast %get3A_45 : vector<1x64xf32> to vector<1024x64xf32>
    %add3A_47 = arith.addf %dot_general3A_42, %add3A_46 : vector<1024x64xf32>
    %tanh3A_48 = math.tanh %add3A_47 : vector<1024x64xf32>
    %get3A_49 = arith.constant 1 : index
    %get3A_50 = arith.constant 0 : index
    %get3A_51 = arith.constant 0 : index
    %get3A_52 = vector.load %arg2[%get3A_49, %get3A_50, %get3A_51] : memref<2x512x1xi32, #tpu.memory_space<vmem>>, vector<1x512x1xi32>
    %get3A_53 = vector.shape_cast %get3A_52 : vector<1x512x1xi32> to vector<512x1xi32>
    %get3A_54 = arith.constant 1 : index
    %get3A_55 = arith.constant 0 : index
    %get3A_56 = arith.constant 0 : index
    %get3A_57 = vector.load %arg3[%get3A_54, %get3A_55, %get3A_56] : memref<2x512x1xi32, #tpu.memory_space<vmem>>, vector<1x512x1xi32>
    %get3A_58 = vector.shape_cast %get3A_57 : vector<1x512x1xi32> to vector<512x1xi32>
    %max3A_59 = arith.maxsi %get3A_53, %get3A_58 : vector<512x1xi32>
    %iota3A_60 = tpu.iota {dimensions = array<i32: 1>} : vector<512x1024xi32>
    %ge3A_61 = vector.broadcast %get3A_53 : vector<512x1xi32> to vector<512x1024xi32>
    %ge3A_62 = arith.cmpi sge, %iota3A_60, %ge3A_61 : vector<512x1024xi32>
    %le3A_63 = vector.broadcast %max3A_59 : vector<512x1xi32> to vector<512x1024xi32>
    %le3A_64 = arith.cmpi sle, %iota3A_60, %le3A_63 : vector<512x1024xi32>
    %and3A_65 = arith.andi %ge3A_62, %le3A_64 : vector<512x1024xi1>
    %convert_element_type3A_66 = arith.extui %and3A_65 : vector<512x1024xi1> to vector<512x1024xi32>
    %convert_element_type3A_67 = arith.sitofp %convert_element_type3A_66 : vector<512x1024xi32> to vector<512x1024xf32>
    %dot_general3A_68 = arith.constant dense<0.000000e+00> : vector<512x64xf32>
    %dot_general3A_69 = tpu.matmul %convert_element_type3A_67, %tanh3A_48, %dot_general3A_68 {dimension_numbers = #tpu.dot_dimension_numbers<[1], [0], [0], [1], [0, 0, 1, 1], [], []>, transpose_lhs_hint = false} : vector<512x1024xf32>, vector<1024x64xf32>, vector<512x64xf32> -> vector<512x64xf32>
    %sub3A_70 = arith.subi %max3A_59, %get3A_53 : vector<512x1xi32>
    %add3A_71 = arith.constant 1 : i32
    %add3A_72 = vector.broadcast %add3A_71 : i32 to vector<512x1xi32>
    %add3A_73 = arith.addi %sub3A_70, %add3A_72 : vector<512x1xi32>
    %convert_element_type3A_74 = arith.sitofp %add3A_73 : vector<512x1xi32> to vector<512x1xf32>
    %div3A_75 = vector.broadcast %convert_element_type3A_74 : vector<512x1xf32> to vector<512x64xf32>
    %div3A_76 = arith.divf %dot_general3A_69, %div3A_75 : vector<512x64xf32>
    %concatenate3A = tpu.concatenate %div3A_31, %div3A_76 in 0 : vector<512x64xf32>, vector<512x64xf32> -> vector<1024x64xf32>
    %get3A_77 = arith.constant 0 : index
    %get3A_78 = arith.constant 0 : index
    %get3A_79 = vector.load %arg10[%get3A_77, %get3A_78] : memref<64x64xf32, #tpu.memory_space<vmem>>, vector<64x64xf32>
    %dot_general3A_80 = arith.constant dense<0.000000e+00> : vector<1024x64xf32>
    %dot_general3A_81 = tpu.matmul %concatenate3A, %get3A_79, %dot_general3A_80 {dimension_numbers = #tpu.dot_dimension_numbers<[1], [0], [0], [1], [0, 0, 1, 1], [], []>, transpose_lhs_hint = false} : vector<1024x64xf32>, vector<64x64xf32>, vector<1024x64xf32> -> vector<1024x64xf32>
    %get3A_82 = arith.constant 0 : index
    %get3A_83 = arith.constant 0 : index
    %get3A_84 = vector.load %arg12[%get3A_82, %get3A_83] : memref<1x64xf32, #tpu.memory_space<vmem>>, vector<1x64xf32>
    %add3A_85 = vector.broadcast %get3A_84 : vector<1x64xf32> to vector<1024x64xf32>
    %add3A_86 = arith.addf %dot_general3A_81, %add3A_85 : vector<1024x64xf32>
    %get3A_87 = arith.constant 0 : index
    %get3A_88 = arith.constant 0 : index
    %get3A_89 = vector.load %arg13[%get3A_87, %get3A_88] : memref<64x64xf32, #tpu.memory_space<vmem>>, vector<64x64xf32>
    %dot_general3A_90 = arith.constant dense<0.000000e+00> : vector<1024x64xf32>
    %dot_general3A_91 = tpu.matmul %concatenate3A, %get3A_89, %dot_general3A_90 {dimension_numbers = #tpu.dot_dimension_numbers<[1], [0], [0], [1], [0, 0, 1, 1], [], []>, transpose_lhs_hint = false} : vector<1024x64xf32>, vector<64x64xf32>, vector<1024x64xf32> -> vector<1024x64xf32>
    %get3A_92 = arith.constant 0 : index
    %get3A_93 = arith.constant 0 : index
    %get3A_94 = vector.load %arg15[%get3A_92, %get3A_93] : memref<1x64xf32, #tpu.memory_space<vmem>>, vector<1x64xf32>
    %add3A_95 = vector.broadcast %get3A_94 : vector<1x64xf32> to vector<1024x64xf32>
    %add3A_96 = arith.addf %dot_general3A_91, %add3A_95 : vector<1024x64xf32>
    %get3A_97 = arith.constant 0 : index
    %get3A_98 = arith.constant 0 : index
    %get3A_99 = vector.load %arg16[%get3A_97, %get3A_98] : memref<64x64xf32, #tpu.memory_space<vmem>>, vector<64x64xf32>
    %dot_general3A_100 = arith.constant dense<0.000000e+00> : vector<1024x64xf32>
    %dot_general3A_101 = tpu.matmul %concatenate3A, %get3A_99, %dot_general3A_100 {dimension_numbers = #tpu.dot_dimension_numbers<[1], [0], [0], [1], [0, 0, 1, 1], [], []>, transpose_lhs_hint = false} : vector<1024x64xf32>, vector<64x64xf32>, vector<1024x64xf32> -> vector<1024x64xf32>
    %get3A_102 = arith.constant 0 : index
    %get3A_103 = arith.constant 0 : index
    %get3A_104 = vector.load %arg18[%get3A_102, %get3A_103] : memref<1x64xf32, #tpu.memory_space<vmem>>, vector<1x64xf32>
    %add3A_105 = vector.broadcast %get3A_104 : vector<1x64xf32> to vector<1024x64xf32>
    %add3A_106 = arith.addf %dot_general3A_101, %add3A_105 : vector<1024x64xf32>
    %concatenate3A_107 = tpu.concatenate %add3A_86, %add3A_96 in 1 : vector<1024x64xf32>, vector<1024x64xf32> -> vector<1024x128xf32>
    %iota3A_108 = tpu.iota {dimensions = array<i32: 1>} : vector<1x512xi32>
    %iota3A_109 = tpu.iota {dimensions = array<i32: 0>} : vector<512x512xi32>
    %get3A_110 = arith.constant 0 : index
    %get3A_111 = arith.constant 0 : index
    %get3A_112 = arith.constant 0 : index
    %get3A_113 = memref.load %arg6[%get3A_110, %get3A_111, %get3A_112] : memref<2x1x1xi32, #tpu.memory_space<smem>>
    %eq3A = vector.broadcast %get3A_113 : i32 to vector<1x512xi32>
    %eq3A_114 = arith.cmpi eq, %iota3A_108, %eq3A : vector<1x512xi32>
    %get3A_115 = arith.constant 0 : index
    %get3A_116 = arith.constant 0 : index
    %get3A_117 = arith.constant 0 : index
    %get3A_118 = vector.load %arg4[%get3A_115, %get3A_116, %get3A_117] : memref<2x1x512xi32, #tpu.memory_space<vmem>>, vector<1x1x512xi32>
    %get3A_119 = vector.shape_cast %get3A_118 : vector<1x1x512xi32> to vector<1x512xi32>
    %broadcast_in_dim3A = vector.broadcast %get3A_113 : i32 to vector<1x512xi32>
    %select_n3A = arith.select %eq3A_114, %broadcast_in_dim3A, %get3A_119 : vector<1x512xi1>, vector<1x512xi32>
    %get3A_120 = arith.constant 0 : index
    %get3A_121 = arith.constant 0 : index
    %get3A_122 = arith.constant 0 : index
    %get3A_123 = vector.load %arg5[%get3A_120, %get3A_121, %get3A_122] : memref<2x1x512xi32, #tpu.memory_space<vmem>>, vector<1x1x512xi32>
    %get3A_124 = vector.shape_cast %get3A_123 : vector<1x1x512xi32> to vector<1x512xi32>
    %broadcast_in_dim3A_125 = vector.broadcast %get3A_113 : i32 to vector<1x512xi32>
    %select_n3A_126 = arith.select %eq3A_114, %broadcast_in_dim3A_125, %get3A_124 : vector<1x512xi1>, vector<1x512xi32>
    %eq3A_127 = vector.broadcast %select_n3A : vector<1x512xi32> to vector<512x512xi32>
    %eq3A_128 = arith.cmpi eq, %iota3A_109, %eq3A_127 : vector<512x512xi32>
    %convert_element_type3A_129 = arith.extui %eq3A_128 : vector<512x512xi1> to vector<512x512xi32>
    %convert_element_type3A_130 = arith.sitofp %convert_element_type3A_129 : vector<512x512xi32> to vector<512x512xf32>
    %convert_element_type3A_131 = arith.truncf %convert_element_type3A_130 : vector<512x512xf32> to vector<512x512xbf16>
    %eq3A_132 = vector.broadcast %select_n3A_126 : vector<1x512xi32> to vector<512x512xi32>
    %eq3A_133 = arith.cmpi eq, %iota3A_109, %eq3A_132 : vector<512x512xi32>
    %convert_element_type3A_134 = arith.extui %eq3A_133 : vector<512x512xi1> to vector<512x512xi32>
    %convert_element_type3A_135 = arith.sitofp %convert_element_type3A_134 : vector<512x512xi32> to vector<512x512xf32>
    %convert_element_type3A_136 = arith.truncf %convert_element_type3A_135 : vector<512x512xf32> to vector<512x512xbf16>
    %get3A_137 = arith.constant 0 : index
    %get3A_138 = arith.constant 0 : index
    %get3A_139 = arith.constant 0 : index
    %get3A_140 = memref.load %arg7[%get3A_137, %get3A_138, %get3A_139] : memref<2x1x1xi32, #tpu.memory_space<smem>>
    %max3A_141 = arith.constant 1 : i32
    %max3A_142 = arith.maxsi %get3A_140, %max3A_141 : i32
    %get3A_143 = arith.constant 1 : index
    %get3A_144 = arith.constant 0 : index
    %get3A_145 = arith.constant 0 : index
    %get3A_146 = memref.load %arg6[%get3A_143, %get3A_144, %get3A_145] : memref<2x1x1xi32, #tpu.memory_space<smem>>
    %eq3A_147 = vector.broadcast %get3A_146 : i32 to vector<1x512xi32>
    %eq3A_148 = arith.cmpi eq, %iota3A_108, %eq3A_147 : vector<1x512xi32>
    %get3A_149 = arith.constant 1 : index
    %get3A_150 = arith.constant 0 : index
    %get3A_151 = arith.constant 0 : index
    %get3A_152 = vector.load %arg4[%get3A_149, %get3A_150, %get3A_151] : memref<2x1x512xi32, #tpu.memory_space<vmem>>, vector<1x1x512xi32>
    %get3A_153 = vector.shape_cast %get3A_152 : vector<1x1x512xi32> to vector<1x512xi32>
    %broadcast_in_dim3A_154 = vector.broadcast %get3A_146 : i32 to vector<1x512xi32>
    %select_n3A_155 = arith.select %eq3A_148, %broadcast_in_dim3A_154, %get3A_153 : vector<1x512xi1>, vector<1x512xi32>
    %get3A_156 = arith.constant 1 : index
    %get3A_157 = arith.constant 0 : index
    %get3A_158 = arith.constant 0 : index
    %get3A_159 = vector.load %arg5[%get3A_156, %get3A_157, %get3A_158] : memref<2x1x512xi32, #tpu.memory_space<vmem>>, vector<1x1x512xi32>
    %get3A_160 = vector.shape_cast %get3A_159 : vector<1x1x512xi32> to vector<1x512xi32>
    %broadcast_in_dim3A_161 = vector.broadcast %get3A_146 : i32 to vector<1x512xi32>
    %select_n3A_162 = arith.select %eq3A_148, %broadcast_in_dim3A_161, %get3A_160 : vector<1x512xi1>, vector<1x512xi32>
    %eq3A_163 = vector.broadcast %select_n3A_155 : vector<1x512xi32> to vector<512x512xi32>
    %eq3A_164 = arith.cmpi eq, %iota3A_109, %eq3A_163 : vector<512x512xi32>
    %convert_element_type3A_165 = arith.extui %eq3A_164 : vector<512x512xi1> to vector<512x512xi32>
    %convert_element_type3A_166 = arith.sitofp %convert_element_type3A_165 : vector<512x512xi32> to vector<512x512xf32>
    %convert_element_type3A_167 = arith.truncf %convert_element_type3A_166 : vector<512x512xf32> to vector<512x512xbf16>
    %eq3A_168 = vector.broadcast %select_n3A_162 : vector<1x512xi32> to vector<512x512xi32>
    %eq3A_169 = arith.cmpi eq, %iota3A_109, %eq3A_168 : vector<512x512xi32>
    %convert_element_type3A_170 = arith.extui %eq3A_169 : vector<512x512xi1> to vector<512x512xi32>
    %convert_element_type3A_171 = arith.sitofp %convert_element_type3A_170 : vector<512x512xi32> to vector<512x512xf32>
    %convert_element_type3A_172 = arith.truncf %convert_element_type3A_171 : vector<512x512xf32> to vector<512x512xbf16>
    %get3A_173 = arith.constant 1 : index
    %get3A_174 = arith.constant 0 : index
    %get3A_175 = arith.constant 0 : index
    %get3A_176 = memref.load %arg7[%get3A_173, %get3A_174, %get3A_175] : memref<2x1x1xi32, #tpu.memory_space<smem>>
    %max3A_177 = arith.constant 1 : i32
    %max3A_178 = arith.maxsi %get3A_176, %max3A_177 : i32
    %get3A_179 = arith.constant 0 : index
    %get3A_180 = arith.constant 0 : index
    %get3A_181 = vector.load %arg19[%get3A_179, %get3A_180] : memref<64x2xf32, #tpu.memory_space<vmem>>, vector<64x1xf32>
    %get3A_182 = arith.constant 0 : index
    %get3A_183 = arith.constant 1 : index
    %get3A_184 = vector.load %arg19[%get3A_182, %get3A_183] : memref<64x2xf32, #tpu.memory_space<vmem>>, vector<64x1xf32>
    %sub3A_185 = arith.subf %get3A_181, %get3A_184 : vector<64x1xf32>
    %get3A_186 = arith.constant 0 : index
    %get3A_187 = arith.constant 0 : index
    %get3A_188 = vector.load %arg20[%get3A_186, %get3A_187] : memref<1x2xf32, #tpu.memory_space<vmem>>, vector<1x1xf32>
    %get3A_189 = arith.constant 0 : index
    %get3A_190 = arith.constant 1 : index
    %get3A_191 = vector.load %arg20[%get3A_189, %get3A_190] : memref<1x2xf32, #tpu.memory_space<vmem>>, vector<1x1xf32>
    %sub3A_192 = arith.subf %get3A_188, %get3A_191 : vector<1x1xf32>
    %iota3A_193 = tpu.iota {dimensions = array<i32: 0>} : vector<1024x1xi32>
    %eq3A_194 = arith.constant 0 : i32
    %eq3A_195 = vector.broadcast %eq3A_194 : i32 to vector<1024x1xi32>
    %eq3A_196 = arith.cmpi eq, %iota3A_193, %eq3A_195 : vector<1024x1xi32>
    %eq3A_197 = arith.constant 512 : i32
    %eq3A_198 = vector.broadcast %eq3A_197 : i32 to vector<1024x1xi32>
    %eq3A_199 = arith.cmpi eq, %iota3A_193, %eq3A_198 : vector<1024x1xi32>
    %or3A = arith.ori %eq3A_196, %eq3A_199 : vector<1024x1xi1>
    %convert_element_type3A_200 = arith.extui %or3A : vector<1024x1xi1> to vector<1024x1xi32>
    %convert_element_type3A_201 = arith.sitofp %convert_element_type3A_200 : vector<1024x1xi32> to vector<1024x1xf32>
    %broadcast_in_dim3A_202 = arith.constant 0.000000e+00 : f32
    %broadcast_in_dim3A_203 = vector.broadcast %broadcast_in_dim3A_202 : f32 to vector<1024x64xf32>
    %broadcast_in_dim3A_204 = arith.constant 1.000000e+00 : f32
    %broadcast_in_dim3A_205 = vector.broadcast %broadcast_in_dim3A_204 : f32 to vector<1024x1xf32>
    %max3A_206 = arith.maxsi %max3A_142, %max3A_178 : i32
    %lt3A = arith.constant 512 : i32
    %lt3A_207 = vector.broadcast %lt3A : i32 to vector<1024x1xi32>
    %lt3A_208 = arith.cmpi slt, %iota3A_193, %lt3A_207 : vector<1024x1xi32>
    %convert_element_type3A_209 = arith.extui %lt3A_208 : vector<1024x1xi1> to vector<1024x1xi32>
    %mul3A = vector.broadcast %max3A_142 : i32 to vector<1024x1xi32>
    %mul3A_210 = arith.muli %mul3A, %convert_element_type3A_209 : vector<1024x1xi32>
    %sub3A_211 = arith.constant 1 : i32
    %sub3A_212 = vector.broadcast %sub3A_211 : i32 to vector<1024x1xi32>
    %sub3A_213 = arith.subi %sub3A_212, %convert_element_type3A_209 : vector<1024x1xi32>
    %mul3A_214 = vector.broadcast %max3A_178 : i32 to vector<1024x1xi32>
    %mul3A_215 = arith.muli %mul3A_214, %sub3A_213 : vector<1024x1xi32>
    %add3A_216 = arith.addi %mul3A_210, %mul3A_215 : vector<1024x1xi32>
    %get3A_217 = arith.constant 0 : index
    %get3A_218 = arith.constant 0 : index
    %get3A_219 = vector.load %arg11[%get3A_217, %get3A_218] : memref<64x64xf32, #tpu.memory_space<vmem>>, vector<64x64xf32>
    %get3A_220 = arith.constant 0 : index
    %get3A_221 = arith.constant 0 : index
    %get3A_222 = vector.load %arg14[%get3A_220, %get3A_221] : memref<64x64xf32, #tpu.memory_space<vmem>>, vector<64x64xf32>
    %concatenate3A_223 = tpu.concatenate %get3A_219, %get3A_222 in 1 : vector<64x64xf32>, vector<64x64xf32> -> vector<64x128xf32>
    %get3A_224 = arith.constant 0 : index
    %get3A_225 = arith.constant 0 : index
    %get3A_226 = vector.load %arg17[%get3A_224, %get3A_225] : memref<64x64xf32, #tpu.memory_space<vmem>>, vector<64x64xf32>
    %while3A = arith.constant 0 : i32
    %while3A_227 = arith.subi %max3A_206, %while3A : i32
    %while3A_228 = arith.addi %while3A, %while3A_227 : i32
    %while3A_229 = arith.constant 1 : i32
    %while3A_230 = arith.divsi %while3A_227, %while3A_229 : i32
    %while3A_231 = arith.muli %while3A_230, %while3A_229 : i32
    %while3A_232 = arith.addi %while3A, %while3A_231 : i32
    %while3A_233 = arith.constant 1 : i32
    %while3A_234:2 = scf.for %while3A_276 = %while3A to %while3A_232 step %while3A_233 iter_args(%while3A_277 = %convert_element_type3A_201, %while3A_278 = %broadcast_in_dim3A_203) -> (vector<1024x1xf32>, vector<1024x64xf32>)  : i32 {
      %dot_general3A_279 = arith.constant dense<0.000000e+00> : vector<1024x128xf32>
      %dot_general3A_280 = tpu.matmul %while3A_278, %concatenate3A_223, %dot_general3A_279 {dimension_numbers = #tpu.dot_dimension_numbers<[1], [0], [0], [1], [0, 0, 1, 1], [], []>, transpose_lhs_hint = false} : vector<1024x64xf32>, vector<64x128xf32>, vector<1024x128xf32> -> vector<1024x128xf32>
      %add3A_281 = arith.addf %concatenate3A_107, %dot_general3A_280 : vector<1024x128xf32>
      %logistic3A = arith.negf %add3A_281 : vector<1024x128xf32>
      %logistic3A_282 = math.exp %logistic3A : vector<1024x128xf32>
      %logistic3A_283 = arith.constant 1.000000e+00 : f32
      %logistic3A_284 = vector.broadcast %logistic3A_283 : f32 to vector<1024x128xf32>
      %logistic3A_285 = arith.addf %logistic3A_284, %logistic3A_282 : vector<1024x128xf32>
      %logistic3A_286 = arith.divf %logistic3A_284, %logistic3A_285 : vector<1024x128xf32>
      %slice3A_287 = vector.extract_strided_slice %logistic3A_286 {offsets = [0, 0], sizes = [1024, 64], strides = [1, 1]} : vector<1024x128xf32> to vector<1024x64xf32>
      %slice3A_288 = vector.extract_strided_slice %logistic3A_286 {offsets = [0, 64], sizes = [1024, 64], strides = [1, 1]} : vector<1024x128xf32> to vector<1024x64xf32>
      %mul3A_289 = arith.mulf %slice3A_288, %while3A_278 : vector<1024x64xf32>
      %dot_general3A_290 = arith.constant dense<0.000000e+00> : vector<1024x64xf32>
      %dot_general3A_291 = tpu.matmul %mul3A_289, %get3A_226, %dot_general3A_290 {dimension_numbers = #tpu.dot_dimension_numbers<[1], [0], [0], [1], [0, 0, 1, 1], [], []>, transpose_lhs_hint = false} : vector<1024x64xf32>, vector<64x64xf32>, vector<1024x64xf32> -> vector<1024x64xf32>
      %add3A_292 = arith.addf %add3A_106, %dot_general3A_291 : vector<1024x64xf32>
      %tanh3A_293 = math.tanh %add3A_292 : vector<1024x64xf32>
      %sub3A_294 = arith.constant 1.000000e+00 : f32
      %sub3A_295 = vector.broadcast %sub3A_294 : f32 to vector<1024x64xf32>
      %sub3A_296 = arith.subf %sub3A_295, %slice3A_287 : vector<1024x64xf32>
      %mul3A_297 = arith.mulf %sub3A_296, %while3A_278 : vector<1024x64xf32>
      %mul3A_298 = arith.mulf %slice3A_287, %tanh3A_293 : vector<1024x64xf32>
      %add3A_299 = arith.addf %mul3A_297, %mul3A_298 : vector<1024x64xf32>
      %dot_general3A_300 = arith.constant dense<0.000000e+00> : vector<1024x1xf32>
      %dot_general3A_301 = tpu.matmul %add3A_299, %sub3A_185, %dot_general3A_300 {dimension_numbers = #tpu.dot_dimension_numbers<[1], [0], [0], [1], [0, 0, 1, 1], [], []>, transpose_lhs_hint = false} : vector<1024x64xf32>, vector<64x1xf32>, vector<1024x1xf32> -> vector<1024x1xf32>
      %add3A_302 = vector.broadcast %sub3A_192 : vector<1x1xf32> to vector<1024x1xf32>
      %add3A_303 = arith.addf %dot_general3A_301, %add3A_302 : vector<1024x1xf32>
      %logistic3A_304 = arith.negf %add3A_303 : vector<1024x1xf32>
      %logistic3A_305 = math.exp %logistic3A_304 : vector<1024x1xf32>
      %logistic3A_306 = arith.constant 1.000000e+00 : f32
      %logistic3A_307 = vector.broadcast %logistic3A_306 : f32 to vector<1024x1xf32>
      %logistic3A_308 = arith.addf %logistic3A_307, %logistic3A_305 : vector<1024x1xf32>
      %logistic3A_309 = arith.divf %logistic3A_307, %logistic3A_308 : vector<1024x1xf32>
      %mul3A_310 = arith.mulf %while3A_277, %logistic3A_309 : vector<1024x1xf32>
      %sub3A_311 = arith.subf %while3A_277, %mul3A_310 : vector<1024x1xf32>
      %concatenate3A_312 = tpu.concatenate %add3A_299, %broadcast_in_dim3A_205 in 1 : vector<1024x64xf32>, vector<1024x1xf32> -> vector<1024x65xf32>
      %mul3A_313 = vector.broadcast %mul3A_310 : vector<1024x1xf32> to vector<1024x65xf32>
      %mul3A_314 = arith.mulf %mul3A_313, %concatenate3A_312 : vector<1024x65xf32>
      %convert_element_type3A_315 = arith.truncf %mul3A_314 : vector<1024x65xf32> to vector<1024x65xbf16>
      %mul3A_316 = vector.broadcast %sub3A_311 : vector<1024x1xf32> to vector<1024x65xf32>
      %mul3A_317 = arith.mulf %mul3A_316, %concatenate3A_312 : vector<1024x65xf32>
      %convert_element_type3A_318 = arith.truncf %mul3A_317 : vector<1024x65xf32> to vector<1024x65xbf16>
      %slice3A_319 = vector.extract_strided_slice %convert_element_type3A_315 {offsets = [0, 0], sizes = [512, 65], strides = [1, 1]} : vector<1024x65xbf16> to vector<512x65xbf16>
      %dot_general3A_320 = arith.constant dense<0.000000e+00> : vector<512x65xf32>
      %dot_general3A_321 = tpu.matmul %convert_element_type3A_131, %slice3A_319, %dot_general3A_320 {dimension_numbers = #tpu.dot_dimension_numbers<[1], [0], [0], [1], [0, 0, 1, 1], [], []>, transpose_lhs_hint = false} : vector<512x512xbf16>, vector<512x65xbf16>, vector<512x65xf32> -> vector<512x65xf32>
      %slice3A_322 = vector.extract_strided_slice %convert_element_type3A_318 {offsets = [0, 0], sizes = [512, 65], strides = [1, 1]} : vector<1024x65xbf16> to vector<512x65xbf16>
      %dot_general3A_323 = arith.constant dense<0.000000e+00> : vector<512x65xf32>
      %dot_general3A_324 = tpu.matmul %convert_element_type3A_136, %slice3A_322, %dot_general3A_323 {dimension_numbers = #tpu.dot_dimension_numbers<[1], [0], [0], [1], [0, 0, 1, 1], [], []>, transpose_lhs_hint = false} : vector<512x512xbf16>, vector<512x65xbf16>, vector<512x65xf32> -> vector<512x65xf32>
      %add3A_325 = arith.addf %dot_general3A_321, %dot_general3A_324 : vector<512x65xf32>
      %slice3A_326 = vector.extract_strided_slice %convert_element_type3A_315 {offsets = [512, 0], sizes = [512, 65], strides = [1, 1]} : vector<1024x65xbf16> to vector<512x65xbf16>
      %dot_general3A_327 = arith.constant dense<0.000000e+00> : vector<512x65xf32>
      %dot_general3A_328 = tpu.matmul %convert_element_type3A_167, %slice3A_326, %dot_general3A_327 {dimension_numbers = #tpu.dot_dimension_numbers<[1], [0], [0], [1], [0, 0, 1, 1], [], []>, transpose_lhs_hint = false} : vector<512x512xbf16>, vector<512x65xbf16>, vector<512x65xf32> -> vector<512x65xf32>
      %slice3A_329 = vector.extract_strided_slice %convert_element_type3A_318 {offsets = [512, 0], sizes = [512, 65], strides = [1, 1]} : vector<1024x65xbf16> to vector<512x65xbf16>
      %dot_general3A_330 = arith.constant dense<0.000000e+00> : vector<512x65xf32>
      %dot_general3A_331 = tpu.matmul %convert_element_type3A_172, %slice3A_329, %dot_general3A_330 {dimension_numbers = #tpu.dot_dimension_numbers<[1], [0], [0], [1], [0, 0, 1, 1], [], []>, transpose_lhs_hint = false} : vector<512x512xbf16>, vector<512x65xbf16>, vector<512x65xf32> -> vector<512x65xf32>
      %add3A_332 = arith.addf %dot_general3A_328, %dot_general3A_331 : vector<512x65xf32>
      %concatenate3A_333 = tpu.concatenate %add3A_325, %add3A_332 in 0 : vector<512x65xf32>, vector<512x65xf32> -> vector<1024x65xf32>
      %slice3A_334 = vector.extract_strided_slice %concatenate3A_333 {offsets = [0, 0], sizes = [1024, 64], strides = [1, 1]} : vector<1024x65xf32> to vector<1024x64xf32>
      %slice3A_335 = vector.extract_strided_slice %concatenate3A_333 {offsets = [0, 64], sizes = [1024, 1], strides = [1, 1]} : vector<1024x65xf32> to vector<1024x1xf32>
      %add3A_336 = arith.constant 1.000000e-07 : f32
      %add3A_337 = vector.broadcast %add3A_336 : f32 to vector<1024x1xf32>
      %add3A_338 = arith.addf %slice3A_335, %add3A_337 : vector<1024x1xf32>
      %div3A_339 = vector.broadcast %add3A_338 : vector<1024x1xf32> to vector<1024x64xf32>
      %div3A_340 = arith.divf %slice3A_334, %div3A_339 : vector<1024x64xf32>
      %lt3A_341 = vector.broadcast %while3A_276 : i32 to vector<1024x1xi32>
      %lt3A_342 = arith.cmpi slt, %lt3A_341, %add3A_216 : vector<1024x1xi32>
      %convert_element_type3A_343 = arith.extui %lt3A_342 : vector<1024x1xi1> to vector<1024x1xi32>
      %convert_element_type3A_344 = arith.sitofp %convert_element_type3A_343 : vector<1024x1xi32> to vector<1024x1xf32>
      %sub3A_345 = arith.constant 1.000000e+00 : f32
      %sub3A_346 = vector.broadcast %sub3A_345 : f32 to vector<1024x1xf32>
      %sub3A_347 = arith.subf %sub3A_346, %convert_element_type3A_344 : vector<1024x1xf32>
      %mul3A_348 = arith.mulf %convert_element_type3A_344, %slice3A_335 : vector<1024x1xf32>
      %mul3A_349 = arith.mulf %sub3A_347, %while3A_277 : vector<1024x1xf32>
      %add3A_350 = arith.addf %mul3A_348, %mul3A_349 : vector<1024x1xf32>
      %mul3A_351 = vector.broadcast %convert_element_type3A_344 : vector<1024x1xf32> to vector<1024x64xf32>
      %mul3A_352 = arith.mulf %mul3A_351, %div3A_340 : vector<1024x64xf32>
      %mul3A_353 = vector.broadcast %sub3A_347 : vector<1024x1xf32> to vector<1024x64xf32>
      %mul3A_354 = arith.mulf %mul3A_353, %while3A_278 : vector<1024x64xf32>
      %add3A_355 = arith.addf %mul3A_352, %mul3A_354 : vector<1024x64xf32>
      scf.yield %add3A_350, %add3A_355 : vector<1024x1xf32>, vector<1024x64xf32>
    }
    %while3A_235 = arith.constant 1 : i32
    %while3A_236:2 = scf.for %while3A_276 = %while3A_232 to %while3A_228 step %while3A_235 iter_args(%while3A_277 = %while3A_234#0, %while3A_278 = %while3A_234#1) -> (vector<1024x1xf32>, vector<1024x64xf32>)  : i32 {
      %dot_general3A_279 = arith.constant dense<0.000000e+00> : vector<1024x128xf32>
      %dot_general3A_280 = tpu.matmul %while3A_278, %concatenate3A_223, %dot_general3A_279 {dimension_numbers = #tpu.dot_dimension_numbers<[1], [0], [0], [1], [0, 0, 1, 1], [], []>, transpose_lhs_hint = false} : vector<1024x64xf32>, vector<64x128xf32>, vector<1024x128xf32> -> vector<1024x128xf32>
      %add3A_281 = arith.addf %concatenate3A_107, %dot_general3A_280 : vector<1024x128xf32>
      %logistic3A = arith.negf %add3A_281 : vector<1024x128xf32>
      %logistic3A_282 = math.exp %logistic3A : vector<1024x128xf32>
      %logistic3A_283 = arith.constant 1.000000e+00 : f32
      %logistic3A_284 = vector.broadcast %logistic3A_283 : f32 to vector<1024x128xf32>
      %logistic3A_285 = arith.addf %logistic3A_284, %logistic3A_282 : vector<1024x128xf32>
      %logistic3A_286 = arith.divf %logistic3A_284, %logistic3A_285 : vector<1024x128xf32>
      %slice3A_287 = vector.extract_strided_slice %logistic3A_286 {offsets = [0, 0], sizes = [1024, 64], strides = [1, 1]} : vector<1024x128xf32> to vector<1024x64xf32>
      %slice3A_288 = vector.extract_strided_slice %logistic3A_286 {offsets = [0, 64], sizes = [1024, 64], strides = [1, 1]} : vector<1024x128xf32> to vector<1024x64xf32>
      %mul3A_289 = arith.mulf %slice3A_288, %while3A_278 : vector<1024x64xf32>
      %dot_general3A_290 = arith.constant dense<0.000000e+00> : vector<1024x64xf32>
      %dot_general3A_291 = tpu.matmul %mul3A_289, %get3A_226, %dot_general3A_290 {dimension_numbers = #tpu.dot_dimension_numbers<[1], [0], [0], [1], [0, 0, 1, 1], [], []>, transpose_lhs_hint = false} : vector<1024x64xf32>, vector<64x64xf32>, vector<1024x64xf32> -> vector<1024x64xf32>
      %add3A_292 = arith.addf %add3A_106, %dot_general3A_291 : vector<1024x64xf32>
      %tanh3A_293 = math.tanh %add3A_292 : vector<1024x64xf32>
      %sub3A_294 = arith.constant 1.000000e+00 : f32
      %sub3A_295 = vector.broadcast %sub3A_294 : f32 to vector<1024x64xf32>
      %sub3A_296 = arith.subf %sub3A_295, %slice3A_287 : vector<1024x64xf32>
      %mul3A_297 = arith.mulf %sub3A_296, %while3A_278 : vector<1024x64xf32>
      %mul3A_298 = arith.mulf %slice3A_287, %tanh3A_293 : vector<1024x64xf32>
      %add3A_299 = arith.addf %mul3A_297, %mul3A_298 : vector<1024x64xf32>
      %dot_general3A_300 = arith.constant dense<0.000000e+00> : vector<1024x1xf32>
      %dot_general3A_301 = tpu.matmul %add3A_299, %sub3A_185, %dot_general3A_300 {dimension_numbers = #tpu.dot_dimension_numbers<[1], [0], [0], [1], [0, 0, 1, 1], [], []>, transpose_lhs_hint = false} : vector<1024x64xf32>, vector<64x1xf32>, vector<1024x1xf32> -> vector<1024x1xf32>
      %add3A_302 = vector.broadcast %sub3A_192 : vector<1x1xf32> to vector<1024x1xf32>
      %add3A_303 = arith.addf %dot_general3A_301, %add3A_302 : vector<1024x1xf32>
      %logistic3A_304 = arith.negf %add3A_303 : vector<1024x1xf32>
      %logistic3A_305 = math.exp %logistic3A_304 : vector<1024x1xf32>
      %logistic3A_306 = arith.constant 1.000000e+00 : f32
      %logistic3A_307 = vector.broadcast %logistic3A_306 : f32 to vector<1024x1xf32>
      %logistic3A_308 = arith.addf %logistic3A_307, %logistic3A_305 : vector<1024x1xf32>
      %logistic3A_309 = arith.divf %logistic3A_307, %logistic3A_308 : vector<1024x1xf32>
      %mul3A_310 = arith.mulf %while3A_277, %logistic3A_309 : vector<1024x1xf32>
      %sub3A_311 = arith.subf %while3A_277, %mul3A_310 : vector<1024x1xf32>
      %concatenate3A_312 = tpu.concatenate %add3A_299, %broadcast_in_dim3A_205 in 1 : vector<1024x64xf32>, vector<1024x1xf32> -> vector<1024x65xf32>
      %mul3A_313 = vector.broadcast %mul3A_310 : vector<1024x1xf32> to vector<1024x65xf32>
      %mul3A_314 = arith.mulf %mul3A_313, %concatenate3A_312 : vector<1024x65xf32>
      %convert_element_type3A_315 = arith.truncf %mul3A_314 : vector<1024x65xf32> to vector<1024x65xbf16>
      %mul3A_316 = vector.broadcast %sub3A_311 : vector<1024x1xf32> to vector<1024x65xf32>
      %mul3A_317 = arith.mulf %mul3A_316, %concatenate3A_312 : vector<1024x65xf32>
      %convert_element_type3A_318 = arith.truncf %mul3A_317 : vector<1024x65xf32> to vector<1024x65xbf16>
      %slice3A_319 = vector.extract_strided_slice %convert_element_type3A_315 {offsets = [0, 0], sizes = [512, 65], strides = [1, 1]} : vector<1024x65xbf16> to vector<512x65xbf16>
      %dot_general3A_320 = arith.constant dense<0.000000e+00> : vector<512x65xf32>
      %dot_general3A_321 = tpu.matmul %convert_element_type3A_131, %slice3A_319, %dot_general3A_320 {dimension_numbers = #tpu.dot_dimension_numbers<[1], [0], [0], [1], [0, 0, 1, 1], [], []>, transpose_lhs_hint = false} : vector<512x512xbf16>, vector<512x65xbf16>, vector<512x65xf32> -> vector<512x65xf32>
      %slice3A_322 = vector.extract_strided_slice %convert_element_type3A_318 {offsets = [0, 0], sizes = [512, 65], strides = [1, 1]} : vector<1024x65xbf16> to vector<512x65xbf16>
      %dot_general3A_323 = arith.constant dense<0.000000e+00> : vector<512x65xf32>
      %dot_general3A_324 = tpu.matmul %convert_element_type3A_136, %slice3A_322, %dot_general3A_323 {dimension_numbers = #tpu.dot_dimension_numbers<[1], [0], [0], [1], [0, 0, 1, 1], [], []>, transpose_lhs_hint = false} : vector<512x512xbf16>, vector<512x65xbf16>, vector<512x65xf32> -> vector<512x65xf32>
      %add3A_325 = arith.addf %dot_general3A_321, %dot_general3A_324 : vector<512x65xf32>
      %slice3A_326 = vector.extract_strided_slice %convert_element_type3A_315 {offsets = [512, 0], sizes = [512, 65], strides = [1, 1]} : vector<1024x65xbf16> to vector<512x65xbf16>
      %dot_general3A_327 = arith.constant dense<0.000000e+00> : vector<512x65xf32>
      %dot_general3A_328 = tpu.matmul %convert_element_type3A_167, %slice3A_326, %dot_general3A_327 {dimension_numbers = #tpu.dot_dimension_numbers<[1], [0], [0], [1], [0, 0, 1, 1], [], []>, transpose_lhs_hint = false} : vector<512x512xbf16>, vector<512x65xbf16>, vector<512x65xf32> -> vector<512x65xf32>
      %slice3A_329 = vector.extract_strided_slice %convert_element_type3A_318 {offsets = [512, 0], sizes = [512, 65], strides = [1, 1]} : vector<1024x65xbf16> to vector<512x65xbf16>
      %dot_general3A_330 = arith.constant dense<0.000000e+00> : vector<512x65xf32>
      %dot_general3A_331 = tpu.matmul %convert_element_type3A_172, %slice3A_329, %dot_general3A_330 {dimension_numbers = #tpu.dot_dimension_numbers<[1], [0], [0], [1], [0, 0, 1, 1], [], []>, transpose_lhs_hint = false} : vector<512x512xbf16>, vector<512x65xbf16>, vector<512x65xf32> -> vector<512x65xf32>
      %add3A_332 = arith.addf %dot_general3A_328, %dot_general3A_331 : vector<512x65xf32>
      %concatenate3A_333 = tpu.concatenate %add3A_325, %add3A_332 in 0 : vector<512x65xf32>, vector<512x65xf32> -> vector<1024x65xf32>
      %slice3A_334 = vector.extract_strided_slice %concatenate3A_333 {offsets = [0, 0], sizes = [1024, 64], strides = [1, 1]} : vector<1024x65xf32> to vector<1024x64xf32>
      %slice3A_335 = vector.extract_strided_slice %concatenate3A_333 {offsets = [0, 64], sizes = [1024, 1], strides = [1, 1]} : vector<1024x65xf32> to vector<1024x1xf32>
      %add3A_336 = arith.constant 1.000000e-07 : f32
      %add3A_337 = vector.broadcast %add3A_336 : f32 to vector<1024x1xf32>
      %add3A_338 = arith.addf %slice3A_335, %add3A_337 : vector<1024x1xf32>
      %div3A_339 = vector.broadcast %add3A_338 : vector<1024x1xf32> to vector<1024x64xf32>
      %div3A_340 = arith.divf %slice3A_334, %div3A_339 : vector<1024x64xf32>
      %lt3A_341 = vector.broadcast %while3A_276 : i32 to vector<1024x1xi32>
      %lt3A_342 = arith.cmpi slt, %lt3A_341, %add3A_216 : vector<1024x1xi32>
      %convert_element_type3A_343 = arith.extui %lt3A_342 : vector<1024x1xi1> to vector<1024x1xi32>
      %convert_element_type3A_344 = arith.sitofp %convert_element_type3A_343 : vector<1024x1xi32> to vector<1024x1xf32>
      %sub3A_345 = arith.constant 1.000000e+00 : f32
      %sub3A_346 = vector.broadcast %sub3A_345 : f32 to vector<1024x1xf32>
      %sub3A_347 = arith.subf %sub3A_346, %convert_element_type3A_344 : vector<1024x1xf32>
      %mul3A_348 = arith.mulf %convert_element_type3A_344, %slice3A_335 : vector<1024x1xf32>
      %mul3A_349 = arith.mulf %sub3A_347, %while3A_277 : vector<1024x1xf32>
      %add3A_350 = arith.addf %mul3A_348, %mul3A_349 : vector<1024x1xf32>
      %mul3A_351 = vector.broadcast %convert_element_type3A_344 : vector<1024x1xf32> to vector<1024x64xf32>
      %mul3A_352 = arith.mulf %mul3A_351, %div3A_340 : vector<1024x64xf32>
      %mul3A_353 = vector.broadcast %sub3A_347 : vector<1024x1xf32> to vector<1024x64xf32>
      %mul3A_354 = arith.mulf %mul3A_353, %while3A_278 : vector<1024x64xf32>
      %add3A_355 = arith.addf %mul3A_352, %mul3A_354 : vector<1024x64xf32>
      scf.yield %add3A_350, %add3A_355 : vector<1024x1xf32>, vector<1024x64xf32>
    }
    %iota3A_237 = tpu.iota {dimensions = array<i32: 0>} : vector<2x1xi32>
    %eq3A_238 = arith.constant 0 : i32
    %eq3A_239 = vector.broadcast %eq3A_238 : i32 to vector<2x1xi32>
    %eq3A_240 = arith.cmpi eq, %iota3A_237, %eq3A_239 : vector<2x1xi32>
    %add3A_241 = arith.constant 512 : i32
    %add3A_242 = arith.addi %get3A_146, %add3A_241 : i32
    %broadcast_in_dim3A_243 = vector.broadcast %get3A_113 : i32 to vector<2x1xi32>
    %broadcast_in_dim3A_244 = vector.broadcast %add3A_242 : i32 to vector<2x1xi32>
    %select_n3A_245 = arith.select %eq3A_240, %broadcast_in_dim3A_243, %broadcast_in_dim3A_244 : vector<2x1xi1>, vector<2x1xi32>
    %iota3A_246 = tpu.iota {dimensions = array<i32: 1>} : vector<2x1024xi32>
    %eq3A_247 = vector.broadcast %select_n3A_245 : vector<2x1xi32> to vector<2x1024xi32>
    %eq3A_248 = arith.cmpi eq, %iota3A_246, %eq3A_247 : vector<2x1024xi32>
    %convert_element_type3A_249 = arith.extui %eq3A_248 : vector<2x1024xi1> to vector<2x1024xi32>
    %convert_element_type3A_250 = arith.sitofp %convert_element_type3A_249 : vector<2x1024xi32> to vector<2x1024xf32>
    %dot_general3A_251 = arith.constant dense<0.000000e+00> : vector<2x64xf32>
    %dot_general3A_252 = tpu.matmul %convert_element_type3A_250, %while3A_236#1, %dot_general3A_251 {dimension_numbers = #tpu.dot_dimension_numbers<[1], [0], [0], [1], [0, 0, 1, 1], [], []>, transpose_lhs_hint = false} : vector<2x1024xf32>, vector<1024x64xf32>, vector<2x64xf32> -> vector<2x64xf32>
    %get3A_253 = arith.constant 0 : index
    %get3A_254 = arith.constant 0 : index
    %get3A_255 = vector.load %arg21[%get3A_253, %get3A_254] : memref<64x28xf32, #tpu.memory_space<vmem>>, vector<64x28xf32>
    %dot_general3A_256 = arith.constant dense<0.000000e+00> : vector<2x28xf32>
    %dot_general3A_257 = tpu.matmul %dot_general3A_252, %get3A_255, %dot_general3A_256 {dimension_numbers = #tpu.dot_dimension_numbers<[1], [0], [0], [1], [0, 0, 1, 1], [], []>, transpose_lhs_hint = false} : vector<2x64xf32>, vector<64x28xf32>, vector<2x28xf32> -> vector<2x28xf32>
    %get3A_258 = arith.constant 0 : index
    %get3A_259 = arith.constant 0 : index
    %get3A_260 = vector.load %arg22[%get3A_258, %get3A_259] : memref<1x28xf32, #tpu.memory_space<vmem>>, vector<1x28xf32>
    %add3A_261 = vector.broadcast %get3A_260 : vector<1x28xf32> to vector<2x28xf32>
    %add3A_262 = arith.addf %dot_general3A_257, %add3A_261 : vector<2x28xf32>
    %iota3A_263 = tpu.iota {dimensions = array<i32: 1>} : vector<1x28xi32>
    %eq3A_264 = arith.constant 0 : i32
    %eq3A_265 = vector.broadcast %eq3A_264 : i32 to vector<1x28xi32>
    %eq3A_266 = arith.cmpi eq, %iota3A_263, %eq3A_265 : vector<1x28xi32>
    %jit3A = arith.constant 0xFF800000 : f32
    %broadcast_in_dim3A_267 = vector.shape_cast %eq3A_266 : vector<1x28xi1> to vector<1x28xi1>
    %broadcast_in_dim3A_268 = vector.broadcast %broadcast_in_dim3A_267 : vector<1x28xi1> to vector<2x28xi1>
    %broadcast_in_dim3A_269 = vector.broadcast %jit3A : f32 to vector<2x28xf32>
    %select_n3A_270 = arith.select %broadcast_in_dim3A_268, %broadcast_in_dim3A_269, %add3A_262 : vector<2x28xi1>, vector<2x28xf32>
    %swap3A = arith.constant 0 : index
    %swap3A_271 = arith.constant 0 : index
    %swap3A_272 = arith.constant 0 : index
    %swap3A_273 = vector.load %arg23[%swap3A, %swap3A_271, %swap3A_272] : memref<2x1x28xf32, #tpu.memory_space<vmem>>, vector<2x1x28xf32>
    %swap3A_274 = vector.shape_cast %swap3A_273 : vector<2x1x28xf32> to vector<2x28xf32>
    %swap3A_275 = vector.shape_cast %select_n3A_270 : vector<2x28xf32> to vector<2x1x28xf32>
    tpu.vector_store %arg23[%swap3A, %swap3A_271, %swap3A_272], %swap3A_275 {strides = array<i32>} : memref<2x1x28xf32, #tpu.memory_space<vmem>>, vector<2x1x28xf32>,
    return
  }
  func.func @transform_0(%arg0: i32) -> (i32, i32, i32) {
    %c0_i32 = arith.constant 0 : i32
    %c0_i32_0 = arith.constant 0 : i32
    %c0_i32_1 = arith.constant 0 : i32
    return %arg0, %c0_i32, %c0_i32_0 : i32, i32, i32
  }
  func.func @transform_1(%arg0: i32) -> (i32, i32, i32) {
    %c0_i32 = arith.constant 0 : i32
    %c0_i32_0 = arith.constant 0 : i32
    %c0_i32_1 = arith.constant 0 : i32
    return %arg0, %c0_i32, %c0_i32_0 : i32, i32, i32
  }
  func.func @transform_2(%arg0: i32) -> (i32, i32, i32) {
    %c0_i32 = arith.constant 0 : i32
    %c0_i32_0 = arith.constant 0 : i32
    %c0_i32_1 = arith.constant 0 : i32
    return %arg0, %c0_i32, %c0_i32_0 : i32, i32, i32
  }
  func.func @transform_3(%arg0: i32) -> (i32, i32, i32) {
    %c0_i32 = arith.constant 0 : i32
    %c0_i32_0 = arith.constant 0 : i32
    %c0_i32_1 = arith.constant 0 : i32
    return %arg0, %c0_i32, %c0_i32_0 : i32, i32, i32
  }
  func.func @transform_4(%arg0: i32) -> (i32, i32, i32) {
    %c0_i32 = arith.constant 0 : i32
    %c0_i32_0 = arith.constant 0 : i32
    %c0_i32_1 = arith.constant 0 : i32
    return %arg0, %c0_i32, %c0_i32_0 : i32, i32, i32
  }
  func.func @transform_5(%arg0: i32) -> (i32, i32, i32) {
    %c0_i32 = arith.constant 0 : i32
    %c0_i32_0 = arith.constant 0 : i32
    %c0_i32_1 = arith.constant 0 : i32
    return %arg0, %c0_i32, %c0_i32_0 : i32, i32, i32
  }
  func.func @transform_6(%arg0: i32) -> (i32, i32, i32) {
    %c0_i32 = arith.constant 0 : i32
    %c0_i32_0 = arith.constant 0 : i32
    %c0_i32_1 = arith.constant 0 : i32
    return %arg0, %c0_i32, %c0_i32_0 : i32, i32, i32
  }
  func.func @transform_7(%arg0: i32) -> (i32, i32) {
    %c0_i32 = arith.constant 0 : i32
    %c0_i32_0 = arith.constant 0 : i32
    %c0_i32_1 = arith.constant 0 : i32
    return %c0_i32, %c0_i32_0 : i32, i32
  }
  func.func @transform_8(%arg0: i32) -> (i32, i32) {
    %c0_i32 = arith.constant 0 : i32
    %c0_i32_0 = arith.constant 0 : i32
    %c0_i32_1 = arith.constant 0 : i32
    return %c0_i32, %c0_i32_0 : i32, i32
  }
  func.func @transform_9(%arg0: i32) -> (i32, i32) {
    %c0_i32 = arith.constant 0 : i32
    %c0_i32_0 = arith.constant 0 : i32
    %c0_i32_1 = arith.constant 0 : i32
    return %c0_i32, %c0_i32_0 : i32, i32
  }
  func.func @transform_10(%arg0: i32) -> (i32, i32) {
    %c0_i32 = arith.constant 0 : i32
    %c0_i32_0 = arith.constant 0 : i32
    %c0_i32_1 = arith.constant 0 : i32
    return %c0_i32, %c0_i32_0 : i32, i32
  }
  func.func @transform_11(%arg0: i32) -> (i32, i32) {
    %c0_i32 = arith.constant 0 : i32
    %c0_i32_0 = arith.constant 0 : i32
    %c0_i32_1 = arith.constant 0 : i32
    return %c0_i32, %c0_i32_0 : i32, i32
  }
  func.func @transform_12(%arg0: i32) -> (i32, i32) {
    %c0_i32 = arith.constant 0 : i32
    %c0_i32_0 = arith.constant 0 : i32
    %c0_i32_1 = arith.constant 0 : i32
    return %c0_i32, %c0_i32_0 : i32, i32
  }
  func.func @transform_13(%arg0: i32) -> (i32, i32) {
    %c0_i32 = arith.constant 0 : i32
    %c0_i32_0 = arith.constant 0 : i32
    %c0_i32_1 = arith.constant 0 : i32
    return %c0_i32, %c0_i32_0 : i32, i32
  }
  func.func @transform_14(%arg0: i32) -> (i32, i32) {
    %c0_i32 = arith.constant 0 : i32
    %c0_i32_0 = arith.constant 0 : i32
    %c0_i32_1 = arith.constant 0 : i32
    return %c0_i32, %c0_i32_0 : i32, i32
  }
  func.func @transform_15(%arg0: i32) -> (i32, i32) {
    %c0_i32 = arith.constant 0 : i32
    %c0_i32_0 = arith.constant 0 : i32
    %c0_i32_1 = arith.constant 0 : i32
    return %c0_i32, %c0_i32_0 : i32, i32
  }
  func.func @transform_16(%arg0: i32) -> (i32, i32) {
    %c0_i32 = arith.constant 0 : i32
    %c0_i32_0 = arith.constant 0 : i32
    %c0_i32_1 = arith.constant 0 : i32
    return %c0_i32, %c0_i32_0 : i32, i32
  }
  func.func @transform_17(%arg0: i32) -> (i32, i32) {
    %c0_i32 = arith.constant 0 : i32
    %c0_i32_0 = arith.constant 0 : i32
    %c0_i32_1 = arith.constant 0 : i32
    return %c0_i32, %c0_i32_0 : i32, i32
  }
  func.func @transform_18(%arg0: i32) -> (i32, i32) {
    %c0_i32 = arith.constant 0 : i32
    %c0_i32_0 = arith.constant 0 : i32
    %c0_i32_1 = arith.constant 0 : i32
    return %c0_i32, %c0_i32_0 : i32, i32
  }
  func.func @transform_19(%arg0: i32) -> (i32, i32) {
    %c0_i32 = arith.constant 0 : i32
    %c0_i32_0 = arith.constant 0 : i32
    %c0_i32_1 = arith.constant 0 : i32
    return %c0_i32, %c0_i32_0 : i32, i32
  }
  func.func @transform_20(%arg0: i32) -> (i32, i32) {
    %c0_i32 = arith.constant 0 : i32
    %c0_i32_0 = arith.constant 0 : i32
    %c0_i32_1 = arith.constant 0 : i32
    return %c0_i32, %c0_i32_0 : i32, i32
  }
  func.func @transform_21(%arg0: i32) -> (i32, i32) {
    %c0_i32 = arith.constant 0 : i32
    %c0_i32_0 = arith.constant 0 : i32
    %c0_i32_1 = arith.constant 0 : i32
    return %c0_i32, %c0_i32_0 : i32, i32
  }
  func.func @transform_22(%arg0: i32) -> (i32, i32, i32) {
    %c0_i32 = arith.constant 0 : i32
    %c0_i32_0 = arith.constant 0 : i32
    %c0_i32_1 = arith.constant 0 : i32
    return %arg0, %c0_i32, %c0_i32_0 : i32, i32, i32
  }
}

</mosaic_0001>

<sc_bundles>
// kernel: kernel.4.cloned.1.call-start
scs
__scs_entry_jumppad:
0x0: {  	(pc) =	sbr.rel $0x88, $3  }
0x1: {  	(tag) =	ssettag $0x0;
	lr =	simm.s32 $0x1  }
0x2: {  	[smem:$0x3F8A] =	sst lr;
	_ =	strace $0xD0000000  }
0x3: {  	_ = 	snop  }
0x4: {  	_ = 	snop  }
0x5: {  	_ = 	snop  }
0x6: {  	_ = 	snop  }
0x7: {  	_ = 	snop  }
__scs_overlays_trampoline_lowered:
0x8: {  	[smem:$0x3F99] =	sst s0  }
0x9: {  	[smem:$0x3F9A] =	sst s1  }
0xa: {  	[smem:$0x3F9B] =	sst s2  }
0xb: {  	[smem:$0x3F9C] =	sst s3  }
0xc: {  	[smem:$0x3F9D] =	sst s4  }
0xd: {  	[smem:$0x3F9E] =	sst s5  }
0xe: {  	[smem:$0x3F9F] =	sst s6  }
0xf: {  	[smem:$0x3FA0] =	sst s7  }
0x10: {  	[smem:$0x3FA1] =	sst s8  }
0x11: {  	[smem:$0x3FA2] =	sst s9;
	s0 =	simm.s32 @!p0 $0x0  }
0x12: {  	s1 =	sld [smem:$0x3F88];
	s0 =	simm.s32 @p0 $0x1  }
0x13: {  	[smem:$0x3FA3] =	sst s0;
	s0 =	simm.s32 @!p1 $0x0  }
0x14: {  	s2 =	sld [smem:$0x3F87];
	s0 =	simm.s32 @p1 $0x1  }
0x15: {  	[smem:$0x3FA4] =	sst s0;
	s0 =	simm.s32 @!p2 $0x0  }
0x16: {  	s3 =	sld [smem:$0x3FDB];
	s0 =	simm.s32 @p2 $0x1  }
0x17: {  	s4 =	simm.s32 $0x1BF5;
	[smem:$0x3FA6] =	sst s0  }
0x18: {  	s0 =	sld [smem:$0x3F89];
	_ =	swait.ge [sflag:s4], $0x0  }
0x19: {  	s7 =	sld [smem:$0x3F8A]  }
0x1a: {  	s8 =	sadd.s32 $0xFFFFE003, lr  }
0x1b: {  	s9 =	sadd.s32 $0xFFFFFEF7, lr;
	s5 =	simm.s32 $0xFFFFFFFF;
	p2 =	slt.u32 s8, $0xFFFFF086  }
0x1c: {  	p1 =	slt.u32 s9, $0xF7A;
	s5 =	simm.s32 @!p2 $0x0  }
0x1d: {  	s5 =	simm.s32 @p1 $0x1;
	p0 =	seq.s32 s7, s2  }
0x1e: {  	s7 =	smul.u32 @!p0 $0xF7A, s2;
	p2 =	seq.s32 @!p0 s5, $0x0  }
0x1f: {  	s9 =	smul.u32 $0xF7A, s1;
	s8 =	simm.s32 @!p0 $0x1BF5;
	p2 =	por !p2, p0  }
0x20: {  	[sflag:s8] =	ssyncset.s32 @!p0 $0xFFFFF086;
	s6 =	sadd.s32 @!p0 s3, s7;
	s7 =	simm.s32 @!p0 $0x108  }
0x21: {  	s3 =	sadd.s32 s3, s9;
	s6 =	sadd.s32 @!p0 $0x88, s6;
	s7 =	simm.s32 @p2 $0x1082  }
0x22: {  	[simem:s7], [sflag:s8] =	dma.local @!p0 [hbm:s6], $0xF7A  }
0x23: {  	s9 =	sor.u32 $0xD0000000, s2;
	s6 =	simm.s32 $0x108;
	_ =	swait.ge @!p0 [sflag:s8], $0x0  }
0x24: {  	s3 =	sadd.s32 $0x88, s3;
	s6 =	simm.s32 @!p1 $0x1082;
	[sflag:s4] =	ssyncset.s32 $0xFFFFF086  }
0x25: {  	[simem:s6], [sflag:s4] =	dma.local [hbm:s3], $0xF7A  }
0x26: {  	[smem:$0x3F8A] =	sst s1;
	(tag) =	ssettag s2;
	_ =	strace s9  }
0x27: {  	s1 =	sld [smem:$0x3F9A]  }
0x28: {  	s2 =	sld [smem:$0x3F9B]  }
0x29: {  	s4 =	sld [smem:$0x3F9D]  }
0x2a: {  	p0 =	seq.s32 s5, $0x0;
	s5 =	sld [smem:$0x3F9E]  }
0x2b: {  	s6 =	sld [smem:$0x3F9F]  }
0x2c: {  	s7 =	sld [smem:$0x3FA0]  }
0x2d: {  	s3 =	simm.s32 $0x108;
	s8 =	sld [smem:$0x3FA1]  }
0x2e: {  	s3 =	simm.s32 @!p0 $0x1082;
	s9 =	sld [smem:$0x3FA2]  }
0x2f: {  	lr =	sadd.s32 s0, s3;
	s0 =	sld [smem:$0x3F99]  }
0x30: {  	s3 =	sld [smem:$0x3F9C]  }
0x31: {  	[smem:$0x3FA5] =	sst s10  }
0x32: {  	s10 =	sld [smem:$0x3FA3];
	_ =	sdelay $0x3  }
0x33: {  	p0 =	seq.s32 s10, $0x1;
	s10 =	sld [smem:$0x3FA5];
	_ =	sdelay $0x3  }
0x34: {  	[smem:$0x3FA5] =	sst s10  }
0x35: {  	s10 =	sld [smem:$0x3FA4];
	_ =	sdelay $0x3  }
0x36: {  	p1 =	seq.s32 s10, $0x1;
	s10 =	sld [smem:$0x3FA5];
	_ =	sdelay $0x3  }
0x37: {  	[smem:$0x3FA5] =	sst s10  }
0x38: {  	s10 =	sld [smem:$0x3FA6]  }
0x39: {  	_ = 	snop;
	(pc) =	sbr.ind lr, $3  }
0x3a: {  	_ = 	snop  }
0x3b: {  	_ = 	snop  }
0x3c: {  	p2 =	seq.s32 s10, $0x1;
	s10 =	sld [smem:$0x3FA5]  }
0x3d: {  	_ =	shalt  }
0x3e: {  	_ =	shalt  }
0x3f: {  	_ =	shalt  }
0x40: {  	_ =	shalt  }
0x41: {  	_ =	shalt  }
0x42: {  	_ =	shalt  }
0x43: {  	_ =	shalt  }
0x44: {  	_ =	shalt  }
0x45: {  	_ =	shalt  }
0x46: {  	_ =	shalt  }
0x47: {  	_ =	shalt  }
0x48: {  	_ =	shalt  }
0x49: {  	_ =	shalt  }
0x4a: {  	_ =	shalt  }
0x4b: {  	_ =	shalt  }
0x4c: {  	_ =	shalt  }
0x4d: {  	_ =	shalt  }
0x4e: {  	_ =	shalt  }
0x4f: {  	_ =	shalt  }
0x50: {  	_ =	shalt  }
0x51: {  	_ =	shalt  }
0x52: {  	_ =	shalt  }
0x53: {  	_ =	shalt  }
0x54: {  	_ =	shalt  }
0x55: {  	_ =	shalt  }
0x56: {  	_ =	shalt  }
0x57: {  	_ =	shalt  }
0x58: {  	_ =	shalt  }
0x59: {  	_ =	shalt  }
0x5a: {  	_ =	shalt  }
0x5b: {  	_ =	shalt  }
0x5c: {  	_ =	shalt  }
0x5d: {  	_ =	shalt  }
0x5e: {  	_ =	shalt  }
0x5f: {  	_ =	shalt  }
0x60: {  	_ =	shalt  }
0x61: {  	_ =	shalt  }
0x62: {  	_ =	shalt  }
0x63: {  	_ =	shalt  }
0x64: {  	_ =	shalt  }
0x65: {  	_ =	shalt  }
0x66: {  	_ =	shalt  }
0x67: {  	_ =	shalt  }
0x68: {  	_ =	shalt  }
0x69: {  	_ =	shalt  }
0x6a: {  	_ =	shalt  }
0x6b: {  	_ =	shalt  }
0x6c: {  	_ =	shalt  }
0x6d: {  	_ =	shalt  }
0x6e: {  	_ =	shalt  }
0x6f: {  	_ =	shalt  }
0x70: {  	_ =	shalt  }
0x71: {  	_ =	shalt  }
0x72: {  	_ =	shalt  }
0x73: {  	_ =	shalt  }
0x74: {  	_ =	shalt  }
0x75: {  	_ =	shalt  }
0x76: {  	_ =	shalt  }
0x77: {  	_ =	shalt  }
0x78: {  	_ =	shalt  }
0x79: {  	_ =	shalt  }
0x7a: {  	_ =	shalt  }
0x7b: {  	_ =	shalt  }
0x7c: {  	_ =	shalt  }
0x7d: {  	_ =	shalt  }
0x7e: {  	_ =	shalt  }
0x7f: {  	_ =	shalt  }
0x80: {  	_ =	shalt  }
0x81: {  	_ =	shalt  }
0x82: {  	_ =	shalt  }
0x83: {  	_ =	shalt  }
0x84: {  	_ =	shalt  }
0x85: {  	_ =	shalt  }
0x86: {  	_ =	shalt  }
0x87: {  	_ =	shalt  }
.Lfunc_end0:
.L_simem_size_0:
called_computation_lowered:
.L_overlay_start_0:
0x88: {  	s2 =	sld [smem:$0x3FD9]  }
0x89: {  	s3 =	sld [smem:$0x3FFE];
	_ =	sdelay $0x1  }
0x8a: {  	s1 =	srdreg.scid  }
0x8b: {  	s0 =	sand.u32 $0x1, s1  }
0x8c: {  	s16 =	sshll.u32 s0, $0xA;
	s2 =	sadd.s32 s3, s2  }
0x8d: {  	s2 =	sadd.s32 s2, s16  }
0x8e: {  	[smem:$0x3FB1] =	sst s2  }
0x8f: {  	_ = 	snop  }
0x90: {  	(tm) =	ssettm $0x1  }
0x91: {  	s17 =	sld [smem:$0x3FFB];
	_ =	sdelay $0x3  }
0x92: {  	_ =	strace s17  }
0x93: {  	s2 =	sld [smem:$0x3FFC];
	_ =	sdelay $0x3  }
0x94: {  	_ =	strace s2  }
0x95: {  	s2 =	sld [smem:$0x3FFD];
	_ =	sdelay $0x3  }
0x96: {  	_ =	strace s2  }
0x97: {  	_ =	strace $0x8FFFFFFF  }
0x98: {  	s18 =	sld [smem:$0x3FDB];
	_ =	sdelay $0x1  }
0x99: {  	s19 =	simm.s32 $_scs_section_size  }
0x9a: {  	s4 =	simm.s32 $_size__tile_overlayer_lowered;
	s5 =	simm.s32 $_tile_overlayer_lowered  }
0x9b: {  	s22 =	simm.s32 $0x1BFF;
	s21 =	sshll.u32 s5, $0x1;
	s2 =	sadd.s32 s19, s18  }
0x9c: {  	s6 =	simm.s32 $0x0;
	s20 =	sshll.u32 s4, $0x1;
	s4 =	sadd.s32 s21, s2  }
0x9d: {  	[timem:s6], [sflag:s22] =	dma.local [hbm:s4], s20  }
0x9e: {  	_ =	swait.ge [sflag:s22], s20  }
0x9f: {  	s3 =	ssub.s32 $0x0, s20;
	[sflag:s22] =	ssyncset.done $0x0  }
0xa0: {  	[sflag:s22] =	ssyncadd.s32 s3;
	_ =	sdelay $0x1  }
0xa1: {  	s23 =	simm.s32 $0x1B8B  }
0xa2: {  	_ =	swait.ge [sflag:s23], $0x1  }
0xa3: {  	[sflag:s23] =	ssyncset.done $0x0  }
0xa4: {  	s25 =	simm.s32 $0x1B8E;
	s24 =	sld [smem:$0x3FFE];
	[sflag:s23] =	ssyncadd.s32 $0xFFFFFFFF  }
0xa5: {  	s26 =	simm.s32 $execute0_lowered;
	[smem:$0x3FD2] =	sst s25  }
0xa6: {  	s4 =	sshll.u32 s26, $0x1;
	_ =	strace $0x80000046;
	[dreg:$0x1] =	wrdreg $0xFFFFFFFF  }
0xa7: {  	s28 =	simm.s32 $_size_execute0_lowered;
	s2 =	sadd.s32 s2, s4;
	[dreg:$0x0] =	wrdreg $0x0  }
0xa8: {  	s4 =	sshll.u32 s28, $0x1;
	[dreg:$0x2] =	wrdreg s2  }
0xa9: {  	[dreg:$0x3] =	wrdreg s4  }
0xaa: {  	[dreg:$0x4] =	wrdreg $0xC0  }
0xab: {  	_ =	task [dreg:s6], $0x5FFFF  }
0xac: {  	[dreg:$0x1] =	wrdreg $0xFFFFFFFF  }
0xad: {  	[dreg:$0x0] =	wrdreg $0x60  }
0xae: {  	[dreg:$0x2] =	wrdreg s24  }
0xaf: {  	[dreg:$0x3] =	wrdreg $0x9  }
0xb0: {  	_ =	task.clear_ibuf [dreg:s6], $0x4FFFF;
	_ =	strace $0x90000046  }
0xb1: {  	s29 =	simm.s32 $0x9;
	_ =	strace $0x8000004F  }
0xb2: {  	_ =	swait.ge [sflag:s29], $0x1  }
0xb3: {  	[sflag:s29] =	ssyncadd.s32 $0xFFFFFFFF  }
0xb4: {  	_ =	strace $0x9000004F  }
0xb5: {  	_ =	sfence  }
0xb6: {  	s30 =	sld [smem:$0x0];
	_ =	sdelay $0x2  }
0xb7: {  	s31 =	sshll.u32 s1, $0xD;
	s1 =	sshrl.u32 s1, $0x2  }
0xb8: {  	s3 =	sand.u32 $0x4000, s31;
	s1 =	sadd.s32 s1, s30  }
0xb9: {  	s0 =	sor.u32 s3, s0;
	s1 =	sshll.u32 s1, $0x11  }
0xba: {  	s0 =	sor.u32 s1, s0  }
0xbb: {  	s0 =	sadd.s32 $0x8F2B, s0  }
0xbc: {  	[sflag:s0] =	ssyncadd.remote.s32 $0x1  }
0xbd: {  	_ =	sfence.sel $0xFFFF  }
0xbe: {  	[dreg:$0x0] =	wrdreg $0xFFFFFFFF;
	(pc) =	sbr.abs _section_cstart, $3  }
0xbf: {  	[dreg:$0x1] =	wrdreg $0xFFFFFFFF  }
0xc0: {  	_ =	task.clear_ibuf [dreg:s6], $0x2FFFF;
	_ =	strace $0x9FFFFFFF  }
0xc1: {  	(tm) =	ssettm $0x7FFFFFFF  }
tec
execute0_lowered:
.L_overlay_start_1:
0x0: {  	(tag) =	ssettag $0x1  }
0x1: {  	s0 =	srdreg.scid  }
0x2: {  	s20 =	sand.u32 $0x1, s0  }
0x3: {  	s1 =	stileid.u32;
	s3 =	sshll.u32 s20, $0x4  }
0x4: {  	s10 =	rddreg [dreg:$0x0];
	s2 =	simm.s32 $0x0;
	s11 =	sor.u32 s1, s3  }
0x5: {  	[smem:$0x7FF] =	sst s2;
	s3 =	sshll.u32 s11, $0x6  }
0x6: {  	s0 =	rddreg [dreg:$0x1];
	_ =	strace $0x80000047;
	s16 =	sadd.s32 s3, s10  }
0x7: {  	_ =	strace $0x80000048;
	s3 =	sadd.s32 $0x189C00, s16  }
0x8: {  	[tilespmem:s2], [sflag:$0x1] =	stream.linear.gather [hbm4b:s3+s2], $0x80, $0x200038;
	[tilespmem:$0x8100] =	vst v63  }
0x9: {  	_ =	strace $0x90000048  }
0xa: {  	s5 =	simm.s32 $0x80;
	s4 =	sadd.s32 $0x189C10, s16;
	_ =	strace $0x80000049  }
0xb: {  	[tilespmem:s5], [sflag:$0x2] =	stream.linear.gather [hbm4b:s4+s2], $0x80, $0x200038;
	[tilespmem:$0x8100] =	vst v63  }
0xc: {  	_ =	strace $0x90000049  }
0xd: {  	s6 =	simm.s32 $0x1;
	_ =	strace $0x8000004A  }
0xe: {  	_ =	swait.ge [sflag:s6], $0x80  }
0xf: {  	[sflag:s6] =	ssyncset.done $0x0  }
0x10: {  	[sflag:s6] =	ssyncadd.s32 $0xFFFFFF80  }
0x11: {  	s8 =	simm.s32 $0x100;
	_ =	strace $0x9000004A  }
0x12: {  	s9 =	simm.s32 $0x5;
	s7 =	sadd.s32 $0x18A400, s10;
	_ =	strace $0x8000004B  }
0x13: {  	[tilespmem:s8], [sflag:$0x5] =	stream.indirect.gather [hbm4b:s7+s5], $0x80, s2, s5, $0x2000b8;
	[tilespmem:$0x8100] =	vst v63  }
0x14: {  	_ =	swait.ge [sflag:s9], $0x4000  }
0x15: {  	[sflag:s9] =	ssyncset.done $0x0  }
0x16: {  	s11 =	sshll.u32 s11, $0xD;
	[sflag:s9] =	ssyncadd.s32 $0xFFFFC000  }
0x17: {  	s19 =	sadd.s32 s11, s10;
	_ =	strace $0x9000004B  }
0x18: {  	s10 =	sadd.s32 $0x3200, s19;
	_ =	strace $0x8000004C  }
0x19: {  	[hbm4b:s10+s2] =	stream.linear.scatter [tilespmem:s8], [sflag:$0x3], $0x4000, $0x200038;
	[tilespmem:$0x8100] =	vst v63  }
0x1a: {  	_ =	strace $0x9000004C  }
0x1b: {  	s11 =	sadd.s32 $0x189C20, s16;
	_ =	strace $0x80000049  }
0x1c: {  	[tilespmem:s2], [sflag:$0x1] =	stream.linear.gather [hbm4b:s11+s2], $0x80, $0x200038;
	[tilespmem:$0x8100] =	vst v63  }
0x1d: {  	_ =	strace $0x90000049  }
0x1e: {  	s12 =	simm.s32 $0x2;
	_ =	strace $0x8000004A  }
0x1f: {  	_ =	swait.ge [sflag:s12], $0x80  }
0x20: {  	[sflag:s12] =	ssyncset.done $0x0  }
0x21: {  	[sflag:s12] =	ssyncadd.s32 $0xFFFFFF80  }
0x22: {  	_ =	strace $0x9000004A  }
0x23: {  	s13 =	simm.s32 $0x4100;
	_ =	strace $0x8000004B  }
0x24: {  	[tilespmem:s13], [sflag:$0x5] =	stream.indirect.gather [hbm4b:s7+s5], $0x80, s5, s5, $0x2000b8;
	[tilespmem:$0x8100] =	vst v63  }
0x25: {  	_ =	swait.ge [sflag:s9], $0x4000  }
0x26: {  	[sflag:s9] =	ssyncset.done $0x0  }
0x27: {  	[sflag:s9] =	ssyncadd.s32 $0xFFFFC000  }
0x28: {  	_ =	strace $0x9000004B  }
0x29: {  	s14 =	sadd.s32 $0x3A00, s19;
	_ =	strace $0x8000004C  }
0x2a: {  	[hbm4b:s14+s2] =	stream.linear.scatter [tilespmem:s13], [sflag:$0x4], $0x4000, $0x200038;
	[tilespmem:$0x8100] =	vst v63  }
0x2b: {  	_ =	strace $0x9000004C  }
0x2c: {  	s15 =	simm.s32 $0x3;
	_ =	strace $0x8000004D  }
0x2d: {  	_ =	swait.ge [sflag:s15], $0x4000  }
0x2e: {  	[sflag:s15] =	ssyncset.done $0x0  }
0x2f: {  	[sflag:s15] =	ssyncadd.s32 $0xFFFFC000  }
0x30: {  	_ =	strace $0x9000004D  }
0x31: {  	s16 =	sadd.s32 $0x189C30, s16;
	_ =	strace $0x80000049  }
0x32: {  	[tilespmem:s5], [sflag:$0x2] =	stream.linear.gather [hbm4b:s16+s2], $0x80, $0x200038;
	[tilespmem:$0x8100] =	vst v63  }
0x33: {  	_ =	strace $0x90000049  }
0x34: {  	_ =	strace $0x8000004A  }
0x35: {  	_ =	swait.ge [sflag:s6], $0x80  }
0x36: {  	[sflag:s6] =	ssyncset.done $0x0  }
0x37: {  	[sflag:s6] =	ssyncadd.s32 $0xFFFFFF80  }
0x38: {  	_ =	strace $0x9000004A  }
0x39: {  	_ =	strace $0x8000004B  }
0x3a: {  	[tilespmem:s8], [sflag:$0x5] =	stream.indirect.gather [hbm4b:s7+s5], $0x80, s2, s5, $0x2000b8;
	[tilespmem:$0x8100] =	vst v63  }
0x3b: {  	_ =	swait.ge [sflag:s9], $0x4000  }
0x3c: {  	[sflag:s9] =	ssyncset.done $0x0  }
0x3d: {  	[sflag:s9] =	ssyncadd.s32 $0xFFFFC000  }
0x3e: {  	_ =	strace $0x9000004B  }
0x3f: {  	s17 =	sadd.s32 $0x4200, s19;
	_ =	strace $0x8000004C  }
0x40: {  	[hbm4b:s17+s2] =	stream.linear.scatter [tilespmem:s8], [sflag:$0x3], $0x4000, $0x200038;
	[tilespmem:$0x8100] =	vst v63  }
0x41: {  	_ =	strace $0x9000004C  }
0x42: {  	s18 =	simm.s32 $0x4;
	_ =	strace $0x8000004D  }
0x43: {  	_ =	swait.ge [sflag:s18], $0x4000  }
0x44: {  	[sflag:s18] =	ssyncset.done $0x0  }
0x45: {  	[sflag:s18] =	ssyncadd.s32 $0xFFFFC000  }
0x46: {  	_ =	strace $0x9000004D  }
0x47: {  	_ =	strace $0x8000004A  }
0x48: {  	_ =	swait.ge [sflag:s12], $0x80  }
0x49: {  	[sflag:s12] =	ssyncset.done $0x0  }
0x4a: {  	[sflag:s12] =	ssyncadd.s32 $0xFFFFFF80  }
0x4b: {  	_ =	strace $0x9000004A  }
0x4c: {  	_ =	strace $0x8000004B  }
0x4d: {  	[tilespmem:s13], [sflag:$0x5] =	stream.indirect.gather [hbm4b:s7+s5], $0x80, s5, s5, $0x2000b8;
	[tilespmem:$0x8100] =	vst v63  }
0x4e: {  	_ =	swait.ge [sflag:s9], $0x4000  }
0x4f: {  	[sflag:s9] =	ssyncset.done $0x0  }
0x50: {  	[sflag:s9] =	ssyncadd.s32 $0xFFFFC000  }
0x51: {  	_ =	strace $0x9000004B  }
0x52: {  	s19 =	sadd.s32 $0x4A00, s19;
	_ =	strace $0x8000004C  }
0x53: {  	[hbm4b:s19+s2] =	stream.linear.scatter [tilespmem:s13], [sflag:$0x4], $0x4000, $0x200038;
	[tilespmem:$0x8100] =	vst v63  }
0x54: {  	s20 =	ssub.s32 $0x2, s20;
	_ =	strace $0x9000004C  }
0x55: {  	s21 =	sshrl.u32 s20, $0x1;
	_ =	strace $0x8000004D  }
0x56: {  	s20 =	ssub.s32 s20, s21;
	_ =	swait.ge [sflag:s15], $0x4000  }
0x57: {  	s20 =	smax.u32 s20, $0x1;
	[sflag:s15] =	ssyncset.done $0x0  }
0x58: {  	p0 =	sne.s32 s20, $0x1;
	[sflag:s15] =	ssyncadd.s32 $0xFFFFC000  }
.Ltmp0:
0x59: {  	_ =	strace $0x9000004D;
	(pc) =	sbr.rel @!p0 .LBB2_2-.Ltmp0, $4  }
0x5a: {  	_ =	strace $0x8000004E  }
0x5b: {  	_ =	swait.ge [sflag:s18], $0x4000  }
0x5c: {  	[sflag:s18] =	ssyncset.done $0x0  }
0x5d: {  	s20 =	sadd.s32 $0xFFFFFFFF, s20;
	[sflag:s18] =	ssyncadd.s32 $0xFFFFC000  }
.LBB2_1:
0x5e: {  	p0 =	sne.s32 s20, $0x1;
	s20 =	sadd.s32 $0xFFFFFFFF, s20;
	_ =	strace $0x9000004E  }
0x5f: {  	_ =	strace $0x80000048  }
0x60: {  	[tilespmem:s2], [sflag:$0x1] =	stream.linear.gather [hbm4b:s3+s2], $0x80, $0x200038;
	[tilespmem:$0x8100] =	vst v63  }
0x61: {  	_ =	strace $0x90000048  }
0x62: {  	_ =	strace $0x80000049  }
0x63: {  	[tilespmem:s5], [sflag:$0x2] =	stream.linear.gather [hbm4b:s4+s2], $0x80, $0x200038;
	[tilespmem:$0x8100] =	vst v63  }
0x64: {  	_ =	strace $0x90000049  }
0x65: {  	_ =	strace $0x8000004A  }
0x66: {  	_ =	swait.ge [sflag:s6], $0x80  }
0x67: {  	[sflag:s6] =	ssyncset.done $0x0  }
0x68: {  	[sflag:s6] =	ssyncadd.s32 $0xFFFFFF80  }
0x69: {  	_ =	strace $0x9000004A  }
0x6a: {  	_ =	strace $0x8000004B  }
0x6b: {  	[tilespmem:s8], [sflag:$0x5] =	stream.indirect.gather [hbm4b:s7+s5], $0x80, s2, s5, $0x2000b8;
	[tilespmem:$0x8100] =	vst v63  }
0x6c: {  	_ =	swait.ge [sflag:s9], $0x4000  }
0x6d: {  	[sflag:s9] =	ssyncset.done $0x0  }
0x6e: {  	[sflag:s9] =	ssyncadd.s32 $0xFFFFC000  }
0x6f: {  	_ =	strace $0x9000004B  }
0x70: {  	_ =	strace $0x8000004C  }
0x71: {  	[hbm4b:s10+s2] =	stream.linear.scatter [tilespmem:s8], [sflag:$0x3], $0x4000, $0x200038;
	[tilespmem:$0x8100] =	vst v63  }
0x72: {  	_ =	strace $0x9000004C  }
0x73: {  	_ =	strace $0x80000049  }
0x74: {  	[tilespmem:s2], [sflag:$0x1] =	stream.linear.gather [hbm4b:s11+s2], $0x80, $0x200038;
	[tilespmem:$0x8100] =	vst v63  }
0x75: {  	_ =	strace $0x90000049  }
0x76: {  	_ =	strace $0x8000004A  }
0x77: {  	_ =	swait.ge [sflag:s12], $0x80  }
0x78: {  	[sflag:s12] =	ssyncset.done $0x0  }
0x79: {  	[sflag:s12] =	ssyncadd.s32 $0xFFFFFF80  }
0x7a: {  	_ =	strace $0x9000004A  }
0x7b: {  	_ =	strace $0x8000004B  }
0x7c: {  	[tilespmem:s13], [sflag:$0x5] =	stream.indirect.gather [hbm4b:s7+s5], $0x80, s5, s5, $0x2000b8;
	[tilespmem:$0x8100] =	vst v63  }
0x7d: {  	_ =	swait.ge [sflag:s9], $0x4000  }
0x7e: {  	[sflag:s9] =	ssyncset.done $0x0  }
0x7f: {  	[sflag:s9] =	ssyncadd.s32 $0xFFFFC000  }
0x80: {  	_ =	strace $0x9000004B  }
0x81: {  	_ =	strace $0x8000004C  }
0x82: {  	[hbm4b:s14+s2] =	stream.linear.scatter [tilespmem:s13], [sflag:$0x4], $0x4000, $0x200038;
	[tilespmem:$0x8100] =	vst v63  }
0x83: {  	_ =	strace $0x9000004C  }
0x84: {  	_ =	strace $0x8000004D  }
0x85: {  	_ =	swait.ge [sflag:s15], $0x4000  }
0x86: {  	[sflag:s15] =	ssyncset.done $0x0  }
0x87: {  	[sflag:s15] =	ssyncadd.s32 $0xFFFFC000  }
0x88: {  	_ =	strace $0x9000004D  }
0x89: {  	_ =	strace $0x80000049  }
0x8a: {  	[tilespmem:s5], [sflag:$0x2] =	stream.linear.gather [hbm4b:s16+s2], $0x80, $0x200038;
	[tilespmem:$0x8100] =	vst v63  }
0x8b: {  	_ =	strace $0x90000049  }
0x8c: {  	_ =	strace $0x8000004A  }
0x8d: {  	_ =	swait.ge [sflag:s6], $0x80  }
0x8e: {  	[sflag:s6] =	ssyncset.done $0x0  }
0x8f: {  	[sflag:s6] =	ssyncadd.s32 $0xFFFFFF80  }
0x90: {  	_ =	strace $0x9000004A  }
0x91: {  	_ =	strace $0x8000004B  }
0x92: {  	[tilespmem:s8], [sflag:$0x5] =	stream.indirect.gather [hbm4b:s7+s5], $0x80, s2, s5, $0x2000b8;
	[tilespmem:$0x8100] =	vst v63  }
0x93: {  	_ =	swait.ge [sflag:s9], $0x4000  }
0x94: {  	[sflag:s9] =	ssyncset.done $0x0  }
0x95: {  	[sflag:s9] =	ssyncadd.s32 $0xFFFFC000  }
0x96: {  	_ =	strace $0x9000004B  }
0x97: {  	_ =	strace $0x8000004C  }
0x98: {  	[hbm4b:s17+s2] =	stream.linear.scatter [tilespmem:s8], [sflag:$0x3], $0x4000, $0x200038;
	[tilespmem:$0x8100] =	vst v63  }
0x99: {  	_ =	strace $0x9000004C  }
0x9a: {  	_ =	strace $0x8000004D  }
0x9b: {  	_ =	swait.ge [sflag:s18], $0x4000  }
0x9c: {  	[sflag:s18] =	ssyncset.done $0x0  }
0x9d: {  	[sflag:s18] =	ssyncadd.s32 $0xFFFFC000  }
0x9e: {  	_ =	strace $0x9000004D  }
0x9f: {  	_ =	strace $0x8000004A  }
0xa0: {  	_ =	swait.ge [sflag:s12], $0x80  }
0xa1: {  	[sflag:s12] =	ssyncset.done $0x0  }
0xa2: {  	[sflag:s12] =	ssyncadd.s32 $0xFFFFFF80  }
0xa3: {  	_ =	strace $0x9000004A  }
0xa4: {  	_ =	strace $0x8000004B  }
0xa5: {  	[tilespmem:s13], [sflag:$0x5] =	stream.indirect.gather [hbm4b:s7+s5], $0x80, s5, s5, $0x2000b8;
	[tilespmem:$0x8100] =	vst v63  }
0xa6: {  	_ =	swait.ge [sflag:s9], $0x4000  }
0xa7: {  	[sflag:s9] =	ssyncset.done $0x0  }
0xa8: {  	[sflag:s9] =	ssyncadd.s32 $0xFFFFC000  }
0xa9: {  	_ =	strace $0x9000004B  }
0xaa: {  	_ =	strace $0x8000004C  }
0xab: {  	[hbm4b:s19+s2] =	stream.linear.scatter [tilespmem:s13], [sflag:$0x4], $0x4000, $0x200038;
	[tilespmem:$0x8100] =	vst v63  }
0xac: {  	_ =	strace $0x9000004C  }
0xad: {  	_ =	strace $0x8000004D  }
0xae: {  	_ =	swait.ge [sflag:s15], $0x4000  }
0xaf: {  	[sflag:s15] =	ssyncset.done $0x0  }
0xb0: {  	[sflag:s15] =	ssyncadd.s32 $0xFFFFC000  }
.Ltmp1:
0xb1: {  	_ =	strace $0x9000004D;
	(pc) =	sbr.rel @p0 .LBB2_1-.Ltmp1, $4  }
0xb2: {  	_ =	strace $0x8000004E  }
0xb3: {  	_ =	swait.ge [sflag:s18], $0x4000  }
0xb4: {  	[sflag:s18] =	ssyncset.done $0x0  }
0xb5: {  	[sflag:s18] =	ssyncadd.s32 $0xFFFFC000  }
.LBB2_2:
0xb6: {  	_ =	strace $0x9000004E  }
0xb7: {  	_ =	sfence.sel $0x180000  }
0xb8: {  	[bflag:$0x0] =	sbarrier.arrive $0xFFFF  }
0xb9: {  	p0 =	sne.s32 s1, $0x0;
	_ =	strace $0x90000047  }
0xba: {  	s0 =	sadd.s32 @!p0 $0x100000, s0;
	[bflag:$0x2] =	sbarrier.arrive $0xFFFF  }
0xbb: {  	[sflag:s0] =	ssyncadd.tile.s32 @!p0 $0x1;
	_ =	shalt  }
.Lfunc_end2:
_tile_overlayer_lowered:
.L_overlay_start_2:
0xbc: {  	(tag) =	ssettag $0x2  }
0xbd: {  	s0 =	rddreg [dreg:$0x0];
	s2 =	stileid.u32  }
0xbe: {  	s1 =	rddreg [dreg:$0x1];
	p0 =	sne.s32 s2, $0x0  }
0xbf: {  	s3 =	rddreg [dreg:$0x2];
	[bflag:$0x3] =	sbarrier.arrive $0xFFFF;
	s2 =	simm.s32 @!p0 $0x1C01  }
0xc0: {  	[timem:s3], [sflag:s2] =	dma.local @!p0 [hbm:s0], s1  }
0xc1: {  	s0 =	simm.s32 @!p0 $0x1  }
0xc2: {  	_ =	swait.ge @!p0 [sflag:s0], s1  }
0xc3: {  	s1 =	ssub.s32 @!p0 $0x0, s1;
	[sflag:s0] =	ssyncset.done @!p0 $0x0  }
0xc4: {  	[sflag:s0] =	ssyncadd.s32 @!p0 s1  }
0xc5: {  	[bflag:$0x3] =	sbarrier.arrive $0xFFFF  }
0xc6: {  	_ =	shalt  }

</sc_bundles>
